<compile_context>
chip_gen: v7x
topology: tpu7x:2x2x1
jax: 0.10.2.dev20260603
libtpu: 0.0.44.dev20260713+nightly
codegen_flags: <defaults>
</compile_context>

<pallas_src>
import functools

import jax
import jax.numpy as jnp
from jax import lax
from jax.experimental import pallas as pl
from jax.experimental.pallas import tpu as pltpu
from jax.experimental.pallas import tpu_sc as plsc

_LANES = 16


def _chunk_schedule(rows_per_worker):
    if rows_per_worker < 96:
        assert rows_per_worker % 16 == 0
        sizes = [16, 16, 16]
        chunks = [(o, 16, o // 16 % 3) for o in range(0, rows_per_worker, 16)]
        return chunks, sizes, 2
    sizes = [8, 8, 16, 16, 16, 16, 16, 16]
    mid_rows = rows_per_worker - 32
    assert mid_rows % 16 == 0
    chunks = [(0, 8, 0), (8, 8, 1)]
    off = 16
    for i in range(mid_rows // 16):
        chunks.append((off, 16, 2 + i % 6))
        off += 16
    chunks += [(off, 8, 0), (off + 8, 8, 1)]
    return chunks, sizes, 5


@functools.lru_cache(maxsize=None)
def _make_scale_kernel(rows: int, dim: int, scale: float):
    info = plsc.get_sparse_core_info()
    num_workers = info.num_cores * info.num_subcores
    assert rows % num_workers == 0
    rows_per_worker = rows // num_workers
    chunks, slot_sizes, depth = _chunk_schedule(rows_per_worker)
    n_slots = len(slot_sizes)

    mesh = plsc.VectorSubcoreMesh(core_axis_name="c", subcore_axis_name="s")

    scratch = [pltpu.VMEM((sz, dim), jnp.float32) for sz in slot_sizes]
    scratch += [pltpu.SemaphoreType.DMA] * (2 * n_slots)

    @functools.partial(
        pl.kernel,
        mesh=mesh,
        out_type=jax.ShapeDtypeStruct((rows, dim), jnp.float32),
        scratch_types=scratch,
        compiler_params=pltpu.CompilerParams(
            use_tc_tiling_on_sc=True,
            disable_bounds_checks=True,
            skip_device_barrier=True,
        ),
    )
    def scale_kernel(emb_hbm, out_hbm, *refs):
        bufs = refs[:n_slots]
        sin = refs[n_slots:2 * n_slots]
        sout = refs[2 * n_slots:3 * n_slots]
        wid = lax.axis_index("c") * info.num_subcores + lax.axis_index("s")
        base = wid * rows_per_worker

        in_copies = {}
        out_copies = {}

        def start_in(ci):
            off, nr, slot = chunks[ci]
            if slot in out_copies:
                out_copies.pop(slot).wait()
            in_copies[slot] = pltpu.async_copy(
                emb_hbm.at[pl.ds(base + off, nr)], bufs[slot], sin[slot])

        for p in range(min(depth, len(chunks))):
            start_in(p)
        for ci, (off, nr, slot) in enumerate(chunks):
            if ci + depth < len(chunks):
                start_in(ci + depth)
            in_copies.pop(slot).wait()
            buf = bufs[slot]

            def row_body(r, _):
                @plsc.parallel_loop(0, dim, step=_LANES, unroll=8)
                def _scale(i):
                    buf[r, pl.ds(i, _LANES)] = buf[r, pl.ds(i, _LANES)] * scale

                return 0

            lax.fori_loop(0, nr, row_body, 0)

            out_copies[slot] = pltpu.async_copy(
                buf, out_hbm.at[pl.ds(base + off, nr)], sout[slot])
        for copy in out_copies.values():
            copy.wait()

    return scale_kernel


def kernel(x, emb_weight):
    seq_len = x.shape[1]
    dim = emb_weight.shape[1]
    scale = dim ** -0.5
    return _make_scale_kernel(seq_len, dim, scale)(emb_weight[:seq_len])

# --- scband reference (transcript-rebuilt; emitter-appended) ---
"""Pipeline reference for scband-absolute-positional-embedding-11665131176252 (READ-ONLY COPY).

The authoritative reference and input builder live on the scoring server;
editing this copy changes nothing except your own understanding.
"""

import jax, jax.numpy as jnp
import numpy as np

DIM = 1024
MAX_SEQ_LEN = 8192
SCALE = DIM ** (-0.5)

def setup_inputs(seed: int = 0) -> dict:
    key = jax.random.key(seed)
    k1, k2 = jax.random.split(key)
    x = jax.random.normal(k1, (4, 8192, DIM), dtype=jnp.float32)
    emb_weight = jax.random.normal(k2, (MAX_SEQ_LEN, DIM), dtype=jnp.float32) * 0.02
    return {"x": x, "emb_weight": emb_weight}

def reference(x, emb_weight):
    seq_len = x.shape[1]
    pos = jnp.arange(seq_len)
    pos_emb = jnp.take(emb_weight, pos, axis=0)
    pos_emb = pos_emb * SCALE
    return pos_emb

if __name__ == "__main__":
    import jax
    _d = setup_inputs()
    print(jax.jit(kernel)(*tuple(_d.values())))

</pallas_src>

<mosaic_0001>
#map = affine_map<(d0, d1) -> (0, 0)>
module attributes {stable_mosaic.version = 14 : i64} {
  func.func @scale_kernel(%arg0: i32, %arg1: i32, %arg2: memref<8192x1024xf32, #tpu.memory_space<hbm>>, %arg3: memref<8192x1024xf32, #tpu.memory_space<hbm>>, %arg4: memref<8x1024xf32, #tpu.memory_space<vmem>>, %arg5: memref<8x1024xf32, #tpu.memory_space<vmem>>, %arg6: memref<16x1024xf32, #tpu.memory_space<vmem>>, %arg7: memref<16x1024xf32, #tpu.memory_space<vmem>>, %arg8: memref<16x1024xf32, #tpu.memory_space<vmem>>, %arg9: memref<16x1024xf32, #tpu.memory_space<vmem>>, %arg10: memref<16x1024xf32, #tpu.memory_space<vmem>>, %arg11: memref<16x1024xf32, #tpu.memory_space<vmem>>, %arg12: memref<!tpu.dma_semaphore, #tpu.memory_space<semaphore_mem>>, %arg13: memref<!tpu.dma_semaphore, #tpu.memory_space<semaphore_mem>>, %arg14: memref<!tpu.dma_semaphore, #tpu.memory_space<semaphore_mem>>, %arg15: memref<!tpu.dma_semaphore, #tpu.memory_space<semaphore_mem>>, %arg16: memref<!tpu.dma_semaphore, #tpu.memory_space<semaphore_mem>>, %arg17: memref<!tpu.dma_semaphore, #tpu.memory_space<semaphore_mem>>, %arg18: memref<!tpu.dma_semaphore, #tpu.memory_space<semaphore_mem>>, %arg19: memref<!tpu.dma_semaphore, #tpu.memory_space<semaphore_mem>>, %arg20: memref<!tpu.dma_semaphore, #tpu.memory_space<semaphore_mem>>, %arg21: memref<!tpu.dma_semaphore, #tpu.memory_space<semaphore_mem>>, %arg22: memref<!tpu.dma_semaphore, #tpu.memory_space<semaphore_mem>>, %arg23: memref<!tpu.dma_semaphore, #tpu.memory_space<semaphore_mem>>, %arg24: memref<!tpu.dma_semaphore, #tpu.memory_space<semaphore_mem>>, %arg25: memref<!tpu.dma_semaphore, #tpu.memory_space<semaphore_mem>>, %arg26: memref<!tpu.dma_semaphore, #tpu.memory_space<semaphore_mem>>, %arg27: memref<!tpu.dma_semaphore, #tpu.memory_space<semaphore_mem>>) attributes {dimension_semantics = [#tpu.dimension_semantics<core_parallel>, #tpu.dimension_semantics<subcore_parallel>], iteration_bounds = array<i64: 2, 16>, scalar_prefetch = 0 : i64, scratch_operands = 24 : i64, tpu.core_type = #tpu.core_type<sc_vector_subcore>, window_params = [{transform_indices = #map}, {transform_indices = #map}]} {
    %mul3A = arith.constant 16 : i32
    %mul3A_0 = arith.muli %arg0, %mul3A : i32
    %add3A = arith.addi %mul3A_0, %arg1 : i32
    %mul3A_1 = arith.constant 256 : i32
    %mul3A_2 = arith.muli %add3A, %mul3A_1 : i32
    %add3A_3 = arith.constant 0 : i32
    %add3A_4 = arith.addi %mul3A_2, %add3A_3 : i32
    %dma_start3A = arith.constant 0 : i32
    %dma_start3A_5 = tpu.memref_slice %arg2[%add3A_4, %dma_start3A] : memref<8192x1024xf32, #tpu.memory_space<hbm>> -> memref<8x1024xf32, #tpu.memory_space<hbm>>
    %dma_start3A_6 = arith.constant 0 : i32
    %dma_start3A_7 = tpu.memref_slice %arg2[%add3A_4, %dma_start3A_6] : memref<8192x1024xf32, #tpu.memory_space<hbm>> -> memref<8x1024xf32, #tpu.memory_space<hbm>>
    tpu.enqueue_dma source(%dma_start3A_7 : memref<8x1024xf32, #tpu.memory_space<hbm>>) target(%arg4 : memref<8x1024xf32, #tpu.memory_space<vmem>>) target_semaphore(%arg12 : memref<!tpu.dma_semaphore, #tpu.memory_space<semaphore_mem>>)
    %add3A_8 = arith.constant 8 : i32
    %add3A_9 = arith.addi %mul3A_2, %add3A_8 : i32
    %dma_start3A_10 = arith.constant 0 : i32
    %dma_start3A_11 = tpu.memref_slice %arg2[%add3A_9, %dma_start3A_10] : memref<8192x1024xf32, #tpu.memory_space<hbm>> -> memref<8x1024xf32, #tpu.memory_space<hbm>>
    %dma_start3A_12 = arith.constant 0 : i32
    %dma_start3A_13 = tpu.memref_slice %arg2[%add3A_9, %dma_start3A_12] : memref<8192x1024xf32, #tpu.memory_space<hbm>> -> memref<8x1024xf32, #tpu.memory_space<hbm>>
    tpu.enqueue_dma source(%dma_start3A_13 : memref<8x1024xf32, #tpu.memory_space<hbm>>) target(%arg5 : memref<8x1024xf32, #tpu.memory_space<vmem>>) target_semaphore(%arg13 : memref<!tpu.dma_semaphore, #tpu.memory_space<semaphore_mem>>)
    %add3A_14 = arith.constant 16 : i32
    %add3A_15 = arith.addi %mul3A_2, %add3A_14 : i32
    %dma_start3A_16 = arith.constant 0 : i32
    %dma_start3A_17 = tpu.memref_slice %arg2[%add3A_15, %dma_start3A_16] : memref<8192x1024xf32, #tpu.memory_space<hbm>> -> memref<16x1024xf32, #tpu.memory_space<hbm>>
    %dma_start3A_18 = arith.constant 0 : i32
    %dma_start3A_19 = tpu.memref_slice %arg2[%add3A_15, %dma_start3A_18] : memref<8192x1024xf32, #tpu.memory_space<hbm>> -> memref<16x1024xf32, #tpu.memory_space<hbm>>
    tpu.enqueue_dma source(%dma_start3A_19 : memref<16x1024xf32, #tpu.memory_space<hbm>>) target(%arg6 : memref<16x1024xf32, #tpu.memory_space<vmem>>) target_semaphore(%arg14 : memref<!tpu.dma_semaphore, #tpu.memory_space<semaphore_mem>>)
    %add3A_20 = arith.constant 32 : i32
    %add3A_21 = arith.addi %mul3A_2, %add3A_20 : i32
    %dma_start3A_22 = arith.constant 0 : i32
    %dma_start3A_23 = tpu.memref_slice %arg2[%add3A_21, %dma_start3A_22] : memref<8192x1024xf32, #tpu.memory_space<hbm>> -> memref<16x1024xf32, #tpu.memory_space<hbm>>
    %dma_start3A_24 = arith.constant 0 : i32
    %dma_start3A_25 = tpu.memref_slice %arg2[%add3A_21, %dma_start3A_24] : memref<8192x1024xf32, #tpu.memory_space<hbm>> -> memref<16x1024xf32, #tpu.memory_space<hbm>>
    tpu.enqueue_dma source(%dma_start3A_25 : memref<16x1024xf32, #tpu.memory_space<hbm>>) target(%arg7 : memref<16x1024xf32, #tpu.memory_space<vmem>>) target_semaphore(%arg15 : memref<!tpu.dma_semaphore, #tpu.memory_space<semaphore_mem>>)
    %add3A_26 = arith.constant 48 : i32
    %add3A_27 = arith.addi %mul3A_2, %add3A_26 : i32
    %dma_start3A_28 = arith.constant 0 : i32
    %dma_start3A_29 = tpu.memref_slice %arg2[%add3A_27, %dma_start3A_28] : memref<8192x1024xf32, #tpu.memory_space<hbm>> -> memref<16x1024xf32, #tpu.memory_space<hbm>>
    %dma_start3A_30 = arith.constant 0 : i32
    %dma_start3A_31 = tpu.memref_slice %arg2[%add3A_27, %dma_start3A_30] : memref<8192x1024xf32, #tpu.memory_space<hbm>> -> memref<16x1024xf32, #tpu.memory_space<hbm>>
    tpu.enqueue_dma source(%dma_start3A_31 : memref<16x1024xf32, #tpu.memory_space<hbm>>) target(%arg8 : memref<16x1024xf32, #tpu.memory_space<vmem>>) target_semaphore(%arg16 : memref<!tpu.dma_semaphore, #tpu.memory_space<semaphore_mem>>)
    %add3A_32 = arith.constant 64 : i32
    %add3A_33 = arith.addi %mul3A_2, %add3A_32 : i32
    %dma_start3A_34 = arith.constant 0 : i32
    %dma_start3A_35 = tpu.memref_slice %arg2[%add3A_33, %dma_start3A_34] : memref<8192x1024xf32, #tpu.memory_space<hbm>> -> memref<16x1024xf32, #tpu.memory_space<hbm>>
    %dma_start3A_36 = arith.constant 0 : i32
    %dma_start3A_37 = tpu.memref_slice %arg2[%add3A_33, %dma_start3A_36] : memref<8192x1024xf32, #tpu.memory_space<hbm>> -> memref<16x1024xf32, #tpu.memory_space<hbm>>
    tpu.enqueue_dma source(%dma_start3A_37 : memref<16x1024xf32, #tpu.memory_space<hbm>>) target(%arg9 : memref<16x1024xf32, #tpu.memory_space<vmem>>) target_semaphore(%arg17 : memref<!tpu.dma_semaphore, #tpu.memory_space<semaphore_mem>>)
    %dma_wait3A = arith.constant 0 : i32
    %dma_wait3A_38 = tpu.memref_slice %arg2[%add3A_4, %dma_wait3A] : memref<8192x1024xf32, #tpu.memory_space<hbm>> -> memref<8x1024xf32, #tpu.memory_space<hbm>>
    %dma_wait3A_39 = arith.constant 0 : i32
    %dma_wait3A_40 = tpu.memref_slice %arg2[%add3A_4, %dma_wait3A_39] : memref<8192x1024xf32, #tpu.memory_space<hbm>> -> memref<8x1024xf32, #tpu.memory_space<hbm>>
    tpu.wait_dma2 semaphore(%arg12 : memref<!tpu.dma_semaphore, #tpu.memory_space<semaphore_mem>>) src(%dma_wait3A_40 : memref<8x1024xf32, #tpu.memory_space<hbm>>) dst(%arg4 : memref<8x1024xf32, #tpu.memory_space<vmem>>)
    %scan3A = arith.constant 0 : i32
    %scan3A_41 = arith.constant 0 : i32
    %scan3A_42 = arith.constant 8 : i32
    %scan3A_43 = arith.addi %scan3A_41, %scan3A_42 : i32
    %scan3A_44 = arith.constant 1 : i32
    %scan3A_45 = scf.for %scan3A_486 = %scan3A_41 to %scan3A_43 step %scan3A_44 iter_args(%scan3A_487 = %scan3A) -> (i32)  : i32 {
      %parallel_loop3A = arith.constant 0 : i32
      %parallel_loop3A_488 = arith.constant 1024 : i32
      %parallel_loop3A_489 = arith.constant 16 : i32
      scf.for %parallel_loop3A_491 = %parallel_loop3A to %parallel_loop3A_488 step %parallel_loop3A_489  : i32 {
        %parallel_loop3A_492 = arith.index_cast %scan3A_486 : i32 to index
        %parallel_loop3A_493 = arith.index_cast %parallel_loop3A_491 : i32 to index
        %parallel_loop3A_494 = tpu.vector_load %arg4[%parallel_loop3A_492, %parallel_loop3A_493] {strides = array<i32>} : memref<8x1024xf32, #tpu.memory_space<vmem>>, vector<1x16xf32>,
        %parallel_loop3A_495 = vector.shape_cast %parallel_loop3A_494 : vector<1x16xf32> to vector<16xf32>
        %parallel_loop3A_496 = arith.constant 3.125000e-02 : f32
        %parallel_loop3A_497 = vector.broadcast %parallel_loop3A_496 : f32 to vector<16xf32>
        %parallel_loop3A_498 = arith.mulf %parallel_loop3A_495, %parallel_loop3A_497 : vector<16xf32>
        %parallel_loop3A_499 = arith.index_cast %scan3A_486 : i32 to index
        %parallel_loop3A_500 = arith.index_cast %parallel_loop3A_491 : i32 to index
        %parallel_loop3A_501 = tpu.vector_load %arg4[%parallel_loop3A_499, %parallel_loop3A_500] {strides = array<i32>} : memref<8x1024xf32, #tpu.memory_space<vmem>>, vector<1x16xf32>,
        %parallel_loop3A_502 = vector.shape_cast %parallel_loop3A_501 : vector<1x16xf32> to vector<16xf32>
        %parallel_loop3A_503 = vector.shape_cast %parallel_loop3A_498 : vector<16xf32> to vector<1x16xf32>
        tpu.vector_store %arg4[%parallel_loop3A_499, %parallel_loop3A_500], %parallel_loop3A_503 {strides = array<i32>} : memref<8x1024xf32, #tpu.memory_space<vmem>>, vector<1x16xf32>,
      } {sc.loop_unroll_factor = 8 : i64, sc.parallel_access}
      %scan3A_490 = arith.constant 0 : i32
      scf.yield %scan3A_490 : i32
    }
    %scan3A_46 = arith.constant 8 : i32
    %add3A_47 = arith.constant 0 : i32
    %add3A_48 = arith.addi %mul3A_2, %add3A_47 : i32
    %dma_start3A_49 = arith.constant 0 : i32
    %dma_start3A_50 = tpu.memref_slice %arg3[%add3A_48, %dma_start3A_49] : memref<8192x1024xf32, #tpu.memory_space<hbm>> -> memref<8x1024xf32, #tpu.memory_space<hbm>>
    %dma_start3A_51 = arith.constant 0 : i32
    %dma_start3A_52 = tpu.memref_slice %arg3[%add3A_48, %dma_start3A_51] : memref<8192x1024xf32, #tpu.memory_space<hbm>> -> memref<8x1024xf32, #tpu.memory_space<hbm>>
    tpu.enqueue_dma source(%arg4 : memref<8x1024xf32, #tpu.memory_space<vmem>>) target(%dma_start3A_52 : memref<8x1024xf32, #tpu.memory_space<hbm>>) target_semaphore(%arg20 : memref<!tpu.dma_semaphore, #tpu.memory_space<semaphore_mem>>)
    %add3A_53 = arith.constant 80 : i32
    %add3A_54 = arith.addi %mul3A_2, %add3A_53 : i32
    %dma_start3A_55 = arith.constant 0 : i32
    %dma_start3A_56 = tpu.memref_slice %arg2[%add3A_54, %dma_start3A_55] : memref<8192x1024xf32, #tpu.memory_space<hbm>> -> memref<16x1024xf32, #tpu.memory_space<hbm>>
    %dma_start3A_57 = arith.constant 0 : i32
    %dma_start3A_58 = tpu.memref_slice %arg2[%add3A_54, %dma_start3A_57] : memref<8192x1024xf32, #tpu.memory_space<hbm>> -> memref<16x1024xf32, #tpu.memory_space<hbm>>
    tpu.enqueue_dma source(%dma_start3A_58 : memref<16x1024xf32, #tpu.memory_space<hbm>>) target(%arg10 : memref<16x1024xf32, #tpu.memory_space<vmem>>) target_semaphore(%arg18 : memref<!tpu.dma_semaphore, #tpu.memory_space<semaphore_mem>>)
    %dma_wait3A_59 = arith.constant 0 : i32
    %dma_wait3A_60 = tpu.memref_slice %arg2[%add3A_9, %dma_wait3A_59] : memref<8192x1024xf32, #tpu.memory_space<hbm>> -> memref<8x1024xf32, #tpu.memory_space<hbm>>
    %dma_wait3A_61 = arith.constant 0 : i32
    %dma_wait3A_62 = tpu.memref_slice %arg2[%add3A_9, %dma_wait3A_61] : memref<8192x1024xf32, #tpu.memory_space<hbm>> -> memref<8x1024xf32, #tpu.memory_space<hbm>>
    tpu.wait_dma2 semaphore(%arg13 : memref<!tpu.dma_semaphore, #tpu.memory_space<semaphore_mem>>) src(%dma_wait3A_62 : memref<8x1024xf32, #tpu.memory_space<hbm>>) dst(%arg5 : memref<8x1024xf32, #tpu.memory_space<vmem>>)
    %scan3A_63 = arith.constant 0 : i32
    %scan3A_64 = arith.constant 0 : i32
    %scan3A_65 = arith.constant 8 : i32
    %scan3A_66 = arith.addi %scan3A_64, %scan3A_65 : i32
    %scan3A_67 = arith.constant 1 : i32
    %scan3A_68 = scf.for %scan3A_486 = %scan3A_64 to %scan3A_66 step %scan3A_67 iter_args(%scan3A_487 = %scan3A_63) -> (i32)  : i32 {
      %parallel_loop3A = arith.constant 0 : i32
      %parallel_loop3A_488 = arith.constant 1024 : i32
      %parallel_loop3A_489 = arith.constant 16 : i32
      scf.for %parallel_loop3A_491 = %parallel_loop3A to %parallel_loop3A_488 step %parallel_loop3A_489  : i32 {
        %parallel_loop3A_492 = arith.index_cast %scan3A_486 : i32 to index
        %parallel_loop3A_493 = arith.index_cast %parallel_loop3A_491 : i32 to index
        %parallel_loop3A_494 = tpu.vector_load %arg5[%parallel_loop3A_492, %parallel_loop3A_493] {strides = array<i32>} : memref<8x1024xf32, #tpu.memory_space<vmem>>, vector<1x16xf32>,
        %parallel_loop3A_495 = vector.shape_cast %parallel_loop3A_494 : vector<1x16xf32> to vector<16xf32>
        %parallel_loop3A_496 = arith.constant 3.125000e-02 : f32
        %parallel_loop3A_497 = vector.broadcast %parallel_loop3A_496 : f32 to vector<16xf32>
        %parallel_loop3A_498 = arith.mulf %parallel_loop3A_495, %parallel_loop3A_497 : vector<16xf32>
        %parallel_loop3A_499 = arith.index_cast %scan3A_486 : i32 to index
        %parallel_loop3A_500 = arith.index_cast %parallel_loop3A_491 : i32 to index
        %parallel_loop3A_501 = tpu.vector_load %arg5[%parallel_loop3A_499, %parallel_loop3A_500] {strides = array<i32>} : memref<8x1024xf32, #tpu.memory_space<vmem>>, vector<1x16xf32>,
        %parallel_loop3A_502 = vector.shape_cast %parallel_loop3A_501 : vector<1x16xf32> to vector<16xf32>
        %parallel_loop3A_503 = vector.shape_cast %parallel_loop3A_498 : vector<16xf32> to vector<1x16xf32>
        tpu.vector_store %arg5[%parallel_loop3A_499, %parallel_loop3A_500], %parallel_loop3A_503 {strides = array<i32>} : memref<8x1024xf32, #tpu.memory_space<vmem>>, vector<1x16xf32>,
      } {sc.loop_unroll_factor = 8 : i64, sc.parallel_access}
      %scan3A_490 = arith.constant 0 : i32
      scf.yield %scan3A_490 : i32
    }
    %scan3A_69 = arith.constant 8 : i32
    %add3A_70 = arith.constant 8 : i32
    %add3A_71 = arith.addi %mul3A_2, %add3A_70 : i32
    %dma_start3A_72 = arith.constant 0 : i32
    %dma_start3A_73 = tpu.memref_slice %arg3[%add3A_71, %dma_start3A_72] : memref<8192x1024xf32, #tpu.memory_space<hbm>> -> memref<8x1024xf32, #tpu.memory_space<hbm>>
    %dma_start3A_74 = arith.constant 0 : i32
    %dma_start3A_75 = tpu.memref_slice %arg3[%add3A_71, %dma_start3A_74] : memref<8192x1024xf32, #tpu.memory_space<hbm>> -> memref<8x1024xf32, #tpu.memory_space<hbm>>
    tpu.enqueue_dma source(%arg5 : memref<8x1024xf32, #tpu.memory_space<vmem>>) target(%dma_start3A_75 : memref<8x1024xf32, #tpu.memory_space<hbm>>) target_semaphore(%arg21 : memref<!tpu.dma_semaphore, #tpu.memory_space<semaphore_mem>>)
    %add3A_76 = arith.constant 96 : i32
    %add3A_77 = arith.addi %mul3A_2, %add3A_76 : i32
    %dma_start3A_78 = arith.constant 0 : i32
    %dma_start3A_79 = tpu.memref_slice %arg2[%add3A_77, %dma_start3A_78] : memref<8192x1024xf32, #tpu.memory_space<hbm>> -> memref<16x1024xf32, #tpu.memory_space<hbm>>
    %dma_start3A_80 = arith.constant 0 : i32
    %dma_start3A_81 = tpu.memref_slice %arg2[%add3A_77, %dma_start3A_80] : memref<8192x1024xf32, #tpu.memory_space<hbm>> -> memref<16x1024xf32, #tpu.memory_space<hbm>>
    tpu.enqueue_dma source(%dma_start3A_81 : memref<16x1024xf32, #tpu.memory_space<hbm>>) target(%arg11 : memref<16x1024xf32, #tpu.memory_space<vmem>>) target_semaphore(%arg19 : memref<!tpu.dma_semaphore, #tpu.memory_space<semaphore_mem>>)
    %dma_wait3A_82 = arith.constant 0 : i32
    %dma_wait3A_83 = tpu.memref_slice %arg2[%add3A_15, %dma_wait3A_82] : memref<8192x1024xf32, #tpu.memory_space<hbm>> -> memref<16x1024xf32, #tpu.memory_space<hbm>>
    %dma_wait3A_84 = arith.constant 0 : i32
    %dma_wait3A_85 = tpu.memref_slice %arg2[%add3A_15, %dma_wait3A_84] : memref<8192x1024xf32, #tpu.memory_space<hbm>> -> memref<16x1024xf32, #tpu.memory_space<hbm>>
    tpu.wait_dma2 semaphore(%arg14 : memref<!tpu.dma_semaphore, #tpu.memory_space<semaphore_mem>>) src(%dma_wait3A_85 : memref<16x1024xf32, #tpu.memory_space<hbm>>) dst(%arg6 : memref<16x1024xf32, #tpu.memory_space<vmem>>)
    %scan3A_86 = arith.constant 0 : i32
    %scan3A_87 = arith.constant 0 : i32
    %scan3A_88 = arith.constant 16 : i32
    %scan3A_89 = arith.addi %scan3A_87, %scan3A_88 : i32
    %scan3A_90 = arith.constant 1 : i32
    %scan3A_91 = scf.for %scan3A_486 = %scan3A_87 to %scan3A_89 step %scan3A_90 iter_args(%scan3A_487 = %scan3A_86) -> (i32)  : i32 {
      %parallel_loop3A = arith.constant 0 : i32
      %parallel_loop3A_488 = arith.constant 1024 : i32
      %parallel_loop3A_489 = arith.constant 16 : i32
      scf.for %parallel_loop3A_491 = %parallel_loop3A to %parallel_loop3A_488 step %parallel_loop3A_489  : i32 {
        %parallel_loop3A_492 = arith.index_cast %scan3A_486 : i32 to index
        %parallel_loop3A_493 = arith.index_cast %parallel_loop3A_491 : i32 to index
        %parallel_loop3A_494 = tpu.vector_load %arg6[%parallel_loop3A_492, %parallel_loop3A_493] {strides = array<i32>} : memref<16x1024xf32, #tpu.memory_space<vmem>>, vector<1x16xf32>,
        %parallel_loop3A_495 = vector.shape_cast %parallel_loop3A_494 : vector<1x16xf32> to vector<16xf32>
        %parallel_loop3A_496 = arith.constant 3.125000e-02 : f32
        %parallel_loop3A_497 = vector.broadcast %parallel_loop3A_496 : f32 to vector<16xf32>
        %parallel_loop3A_498 = arith.mulf %parallel_loop3A_495, %parallel_loop3A_497 : vector<16xf32>
        %parallel_loop3A_499 = arith.index_cast %scan3A_486 : i32 to index
        %parallel_loop3A_500 = arith.index_cast %parallel_loop3A_491 : i32 to index
        %parallel_loop3A_501 = tpu.vector_load %arg6[%parallel_loop3A_499, %parallel_loop3A_500] {strides = array<i32>} : memref<16x1024xf32, #tpu.memory_space<vmem>>, vector<1x16xf32>,
        %parallel_loop3A_502 = vector.shape_cast %parallel_loop3A_501 : vector<1x16xf32> to vector<16xf32>
        %parallel_loop3A_503 = vector.shape_cast %parallel_loop3A_498 : vector<16xf32> to vector<1x16xf32>
        tpu.vector_store %arg6[%parallel_loop3A_499, %parallel_loop3A_500], %parallel_loop3A_503 {strides = array<i32>} : memref<16x1024xf32, #tpu.memory_space<vmem>>, vector<1x16xf32>,
      } {sc.loop_unroll_factor = 8 : i64, sc.parallel_access}
      %scan3A_490 = arith.constant 0 : i32
      scf.yield %scan3A_490 : i32
    }
    %scan3A_92 = arith.constant 16 : i32
    %add3A_93 = arith.constant 16 : i32
    %add3A_94 = arith.addi %mul3A_2, %add3A_93 : i32
    %dma_start3A_95 = arith.constant 0 : i32
    %dma_start3A_96 = tpu.memref_slice %arg3[%add3A_94, %dma_start3A_95] : memref<8192x1024xf32, #tpu.memory_space<hbm>> -> memref<16x1024xf32, #tpu.memory_space<hbm>>
    %dma_start3A_97 = arith.constant 0 : i32
    %dma_start3A_98 = tpu.memref_slice %arg3[%add3A_94, %dma_start3A_97] : memref<8192x1024xf32, #tpu.memory_space<hbm>> -> memref<16x1024xf32, #tpu.memory_space<hbm>>
    tpu.enqueue_dma source(%arg6 : memref<16x1024xf32, #tpu.memory_space<vmem>>) target(%dma_start3A_98 : memref<16x1024xf32, #tpu.memory_space<hbm>>) target_semaphore(%arg22 : memref<!tpu.dma_semaphore, #tpu.memory_space<semaphore_mem>>)
    %dma_wait3A_99 = arith.constant 0 : i32
    %dma_wait3A_100 = tpu.memref_slice %arg3[%add3A_94, %dma_wait3A_99] : memref<8192x1024xf32, #tpu.memory_space<hbm>> -> memref<16x1024xf32, #tpu.memory_space<hbm>>
    %dma_wait3A_101 = arith.constant 0 : i32
    %dma_wait3A_102 = tpu.memref_slice %arg3[%add3A_94, %dma_wait3A_101] : memref<8192x1024xf32, #tpu.memory_space<hbm>> -> memref<16x1024xf32, #tpu.memory_space<hbm>>
    tpu.wait_dma2 semaphore(%arg22 : memref<!tpu.dma_semaphore, #tpu.memory_space<semaphore_mem>>) src(%arg6 : memref<16x1024xf32, #tpu.memory_space<vmem>>) dst(%dma_wait3A_102 : memref<16x1024xf32, #tpu.memory_space<hbm>>)
    %add3A_103 = arith.constant 112 : i32
    %add3A_104 = arith.addi %mul3A_2, %add3A_103 : i32
    %dma_start3A_105 = arith.constant 0 : i32
    %dma_start3A_106 = tpu.memref_slice %arg2[%add3A_104, %dma_start3A_105] : memref<8192x1024xf32, #tpu.memory_space<hbm>> -> memref<16x1024xf32, #tpu.memory_space<hbm>>
    %dma_start3A_107 = arith.constant 0 : i32
    %dma_start3A_108 = tpu.memref_slice %arg2[%add3A_104, %dma_start3A_107] : memref<8192x1024xf32, #tpu.memory_space<hbm>> -> memref<16x1024xf32, #tpu.memory_space<hbm>>
    tpu.enqueue_dma source(%dma_start3A_108 : memref<16x1024xf32, #tpu.memory_space<hbm>>) target(%arg6 : memref<16x1024xf32, #tpu.memory_space<vmem>>) target_semaphore(%arg14 : memref<!tpu.dma_semaphore, #tpu.memory_space<semaphore_mem>>)
    %dma_wait3A_109 = arith.constant 0 : i32
    %dma_wait3A_110 = tpu.memref_slice %arg2[%add3A_21, %dma_wait3A_109] : memref<8192x1024xf32, #tpu.memory_space<hbm>> -> memref<16x1024xf32, #tpu.memory_space<hbm>>
    %dma_wait3A_111 = arith.constant 0 : i32
    %dma_wait3A_112 = tpu.memref_slice %arg2[%add3A_21, %dma_wait3A_111] : memref<8192x1024xf32, #tpu.memory_space<hbm>> -> memref<16x1024xf32, #tpu.memory_space<hbm>>
    tpu.wait_dma2 semaphore(%arg15 : memref<!tpu.dma_semaphore, #tpu.memory_space<semaphore_mem>>) src(%dma_wait3A_112 : memref<16x1024xf32, #tpu.memory_space<hbm>>) dst(%arg7 : memref<16x1024xf32, #tpu.memory_space<vmem>>)
    %scan3A_113 = arith.constant 0 : i32
    %scan3A_114 = arith.constant 0 : i32
    %scan3A_115 = arith.constant 16 : i32
    %scan3A_116 = arith.addi %scan3A_114, %scan3A_115 : i32
    %scan3A_117 = arith.constant 1 : i32
    %scan3A_118 = scf.for %scan3A_486 = %scan3A_114 to %scan3A_116 step %scan3A_117 iter_args(%scan3A_487 = %scan3A_113) -> (i32)  : i32 {
      %parallel_loop3A = arith.constant 0 : i32
      %parallel_loop3A_488 = arith.constant 1024 : i32
      %parallel_loop3A_489 = arith.constant 16 : i32
      scf.for %parallel_loop3A_491 = %parallel_loop3A to %parallel_loop3A_488 step %parallel_loop3A_489  : i32 {
        %parallel_loop3A_492 = arith.index_cast %scan3A_486 : i32 to index
        %parallel_loop3A_493 = arith.index_cast %parallel_loop3A_491 : i32 to index
        %parallel_loop3A_494 = tpu.vector_load %arg7[%parallel_loop3A_492, %parallel_loop3A_493] {strides = array<i32>} : memref<16x1024xf32, #tpu.memory_space<vmem>>, vector<1x16xf32>,
        %parallel_loop3A_495 = vector.shape_cast %parallel_loop3A_494 : vector<1x16xf32> to vector<16xf32>
        %parallel_loop3A_496 = arith.constant 3.125000e-02 : f32
        %parallel_loop3A_497 = vector.broadcast %parallel_loop3A_496 : f32 to vector<16xf32>
        %parallel_loop3A_498 = arith.mulf %parallel_loop3A_495, %parallel_loop3A_497 : vector<16xf32>
        %parallel_loop3A_499 = arith.index_cast %scan3A_486 : i32 to index
        %parallel_loop3A_500 = arith.index_cast %parallel_loop3A_491 : i32 to index
        %parallel_loop3A_501 = tpu.vector_load %arg7[%parallel_loop3A_499, %parallel_loop3A_500] {strides = array<i32>} : memref<16x1024xf32, #tpu.memory_space<vmem>>, vector<1x16xf32>,
        %parallel_loop3A_502 = vector.shape_cast %parallel_loop3A_501 : vector<1x16xf32> to vector<16xf32>
        %parallel_loop3A_503 = vector.shape_cast %parallel_loop3A_498 : vector<16xf32> to vector<1x16xf32>
        tpu.vector_store %arg7[%parallel_loop3A_499, %parallel_loop3A_500], %parallel_loop3A_503 {strides = array<i32>} : memref<16x1024xf32, #tpu.memory_space<vmem>>, vector<1x16xf32>,
      } {sc.loop_unroll_factor = 8 : i64, sc.parallel_access}
      %scan3A_490 = arith.constant 0 : i32
      scf.yield %scan3A_490 : i32
    }
    %scan3A_119 = arith.constant 16 : i32
    %add3A_120 = arith.constant 32 : i32
    %add3A_121 = arith.addi %mul3A_2, %add3A_120 : i32
    %dma_start3A_122 = arith.constant 0 : i32
    %dma_start3A_123 = tpu.memref_slice %arg3[%add3A_121, %dma_start3A_122] : memref<8192x1024xf32, #tpu.memory_space<hbm>> -> memref<16x1024xf32, #tpu.memory_space<hbm>>
    %dma_start3A_124 = arith.constant 0 : i32
    %dma_start3A_125 = tpu.memref_slice %arg3[%add3A_121, %dma_start3A_124] : memref<8192x1024xf32, #tpu.memory_space<hbm>> -> memref<16x1024xf32, #tpu.memory_space<hbm>>
    tpu.enqueue_dma source(%arg7 : memref<16x1024xf32, #tpu.memory_space<vmem>>) target(%dma_start3A_125 : memref<16x1024xf32, #tpu.memory_space<hbm>>) target_semaphore(%arg23 : memref<!tpu.dma_semaphore, #tpu.memory_space<semaphore_mem>>)
    %dma_wait3A_126 = arith.constant 0 : i32
    %dma_wait3A_127 = tpu.memref_slice %arg3[%add3A_121, %dma_wait3A_126] : memref<8192x1024xf32, #tpu.memory_space<hbm>> -> memref<16x1024xf32, #tpu.memory_space<hbm>>
    %dma_wait3A_128 = arith.constant 0 : i32
    %dma_wait3A_129 = tpu.memref_slice %arg3[%add3A_121, %dma_wait3A_128] : memref<8192x1024xf32, #tpu.memory_space<hbm>> -> memref<16x1024xf32, #tpu.memory_space<hbm>>
    tpu.wait_dma2 semaphore(%arg23 : memref<!tpu.dma_semaphore, #tpu.memory_space<semaphore_mem>>) src(%arg7 : memref<16x1024xf32, #tpu.memory_space<vmem>>) dst(%dma_wait3A_129 : memref<16x1024xf32, #tpu.memory_space<hbm>>)
    %add3A_130 = arith.constant 128 : i32
    %add3A_131 = arith.addi %mul3A_2, %add3A_130 : i32
    %dma_start3A_132 = arith.constant 0 : i32
    %dma_start3A_133 = tpu.memref_slice %arg2[%add3A_131, %dma_start3A_132] : memref<8192x1024xf32, #tpu.memory_space<hbm>> -> memref<16x1024xf32, #tpu.memory_space<hbm>>
    %dma_start3A_134 = arith.constant 0 : i32
    %dma_start3A_135 = tpu.memref_slice %arg2[%add3A_131, %dma_start3A_134] : memref<8192x1024xf32, #tpu.memory_space<hbm>> -> memref<16x1024xf32, #tpu.memory_space<hbm>>
    tpu.enqueue_dma source(%dma_start3A_135 : memref<16x1024xf32, #tpu.memory_space<hbm>>) target(%arg7 : memref<16x1024xf32, #tpu.memory_space<vmem>>) target_semaphore(%arg15 : memref<!tpu.dma_semaphore, #tpu.memory_space<semaphore_mem>>)
    %dma_wait3A_136 = arith.constant 0 : i32
    %dma_wait3A_137 = tpu.memref_slice %arg2[%add3A_27, %dma_wait3A_136] : memref<8192x1024xf32, #tpu.memory_space<hbm>> -> memref<16x1024xf32, #tpu.memory_space<hbm>>
    %dma_wait3A_138 = arith.constant 0 : i32
    %dma_wait3A_139 = tpu.memref_slice %arg2[%add3A_27, %dma_wait3A_138] : memref<8192x1024xf32, #tpu.memory_space<hbm>> -> memref<16x1024xf32, #tpu.memory_space<hbm>>
    tpu.wait_dma2 semaphore(%arg16 : memref<!tpu.dma_semaphore, #tpu.memory_space<semaphore_mem>>) src(%dma_wait3A_139 : memref<16x1024xf32, #tpu.memory_space<hbm>>) dst(%arg8 : memref<16x1024xf32, #tpu.memory_space<vmem>>)
    %scan3A_140 = arith.constant 0 : i32
    %scan3A_141 = arith.constant 0 : i32
    %scan3A_142 = arith.constant 16 : i32
    %scan3A_143 = arith.addi %scan3A_141, %scan3A_142 : i32
    %scan3A_144 = arith.constant 1 : i32
    %scan3A_145 = scf.for %scan3A_486 = %scan3A_141 to %scan3A_143 step %scan3A_144 iter_args(%scan3A_487 = %scan3A_140) -> (i32)  : i32 {
      %parallel_loop3A = arith.constant 0 : i32
      %parallel_loop3A_488 = arith.constant 1024 : i32
      %parallel_loop3A_489 = arith.constant 16 : i32
      scf.for %parallel_loop3A_491 = %parallel_loop3A to %parallel_loop3A_488 step %parallel_loop3A_489  : i32 {
        %parallel_loop3A_492 = arith.index_cast %scan3A_486 : i32 to index
        %parallel_loop3A_493 = arith.index_cast %parallel_loop3A_491 : i32 to index
        %parallel_loop3A_494 = tpu.vector_load %arg8[%parallel_loop3A_492, %parallel_loop3A_493] {strides = array<i32>} : memref<16x1024xf32, #tpu.memory_space<vmem>>, vector<1x16xf32>,
        %parallel_loop3A_495 = vector.shape_cast %parallel_loop3A_494 : vector<1x16xf32> to vector<16xf32>
        %parallel_loop3A_496 = arith.constant 3.125000e-02 : f32
        %parallel_loop3A_497 = vector.broadcast %parallel_loop3A_496 : f32 to vector<16xf32>
        %parallel_loop3A_498 = arith.mulf %parallel_loop3A_495, %parallel_loop3A_497 : vector<16xf32>
        %parallel_loop3A_499 = arith.index_cast %scan3A_486 : i32 to index
        %parallel_loop3A_500 = arith.index_cast %parallel_loop3A_491 : i32 to index
        %parallel_loop3A_501 = tpu.vector_load %arg8[%parallel_loop3A_499, %parallel_loop3A_500] {strides = array<i32>} : memref<16x1024xf32, #tpu.memory_space<vmem>>, vector<1x16xf32>,
        %parallel_loop3A_502 = vector.shape_cast %parallel_loop3A_501 : vector<1x16xf32> to vector<16xf32>
        %parallel_loop3A_503 = vector.shape_cast %parallel_loop3A_498 : vector<16xf32> to vector<1x16xf32>
        tpu.vector_store %arg8[%parallel_loop3A_499, %parallel_loop3A_500], %parallel_loop3A_503 {strides = array<i32>} : memref<16x1024xf32, #tpu.memory_space<vmem>>, vector<1x16xf32>,
      } {sc.loop_unroll_factor = 8 : i64, sc.parallel_access}
      %scan3A_490 = arith.constant 0 : i32
      scf.yield %scan3A_490 : i32
    }
    %scan3A_146 = arith.constant 16 : i32
    %add3A_147 = arith.constant 48 : i32
    %add3A_148 = arith.addi %mul3A_2, %add3A_147 : i32
    %dma_start3A_149 = arith.constant 0 : i32
    %dma_start3A_150 = tpu.memref_slice %arg3[%add3A_148, %dma_start3A_149] : memref<8192x1024xf32, #tpu.memory_space<hbm>> -> memref<16x1024xf32, #tpu.memory_space<hbm>>
    %dma_start3A_151 = arith.constant 0 : i32
    %dma_start3A_152 = tpu.memref_slice %arg3[%add3A_148, %dma_start3A_151] : memref<8192x1024xf32, #tpu.memory_space<hbm>> -> memref<16x1024xf32, #tpu.memory_space<hbm>>
    tpu.enqueue_dma source(%arg8 : memref<16x1024xf32, #tpu.memory_space<vmem>>) target(%dma_start3A_152 : memref<16x1024xf32, #tpu.memory_space<hbm>>) target_semaphore(%arg24 : memref<!tpu.dma_semaphore, #tpu.memory_space<semaphore_mem>>)
    %dma_wait3A_153 = arith.constant 0 : i32
    %dma_wait3A_154 = tpu.memref_slice %arg3[%add3A_148, %dma_wait3A_153] : memref<8192x1024xf32, #tpu.memory_space<hbm>> -> memref<16x1024xf32, #tpu.memory_space<hbm>>
    %dma_wait3A_155 = arith.constant 0 : i32
    %dma_wait3A_156 = tpu.memref_slice %arg3[%add3A_148, %dma_wait3A_155] : memref<8192x1024xf32, #tpu.memory_space<hbm>> -> memref<16x1024xf32, #tpu.memory_space<hbm>>
    tpu.wait_dma2 semaphore(%arg24 : memref<!tpu.dma_semaphore, #tpu.memory_space<semaphore_mem>>) src(%arg8 : memref<16x1024xf32, #tpu.memory_space<vmem>>) dst(%dma_wait3A_156 : memref<16x1024xf32, #tpu.memory_space<hbm>>)
    %add3A_157 = arith.constant 144 : i32
    %add3A_158 = arith.addi %mul3A_2, %add3A_157 : i32
    %dma_start3A_159 = arith.constant 0 : i32
    %dma_start3A_160 = tpu.memref_slice %arg2[%add3A_158, %dma_start3A_159] : memref<8192x1024xf32, #tpu.memory_space<hbm>> -> memref<16x1024xf32, #tpu.memory_space<hbm>>
    %dma_start3A_161 = arith.constant 0 : i32
    %dma_start3A_162 = tpu.memref_slice %arg2[%add3A_158, %dma_start3A_161] : memref<8192x1024xf32, #tpu.memory_space<hbm>> -> memref<16x1024xf32, #tpu.memory_space<hbm>>
    tpu.enqueue_dma source(%dma_start3A_162 : memref<16x1024xf32, #tpu.memory_space<hbm>>) target(%arg8 : memref<16x1024xf32, #tpu.memory_space<vmem>>) target_semaphore(%arg16 : memref<!tpu.dma_semaphore, #tpu.memory_space<semaphore_mem>>)
    %dma_wait3A_163 = arith.constant 0 : i32
    %dma_wait3A_164 = tpu.memref_slice %arg2[%add3A_33, %dma_wait3A_163] : memref<8192x1024xf32, #tpu.memory_space<hbm>> -> memref<16x1024xf32, #tpu.memory_space<hbm>>
    %dma_wait3A_165 = arith.constant 0 : i32
    %dma_wait3A_166 = tpu.memref_slice %arg2[%add3A_33, %dma_wait3A_165] : memref<8192x1024xf32, #tpu.memory_space<hbm>> -> memref<16x1024xf32, #tpu.memory_space<hbm>>
    tpu.wait_dma2 semaphore(%arg17 : memref<!tpu.dma_semaphore, #tpu.memory_space<semaphore_mem>>) src(%dma_wait3A_166 : memref<16x1024xf32, #tpu.memory_space<hbm>>) dst(%arg9 : memref<16x1024xf32, #tpu.memory_space<vmem>>)
    %scan3A_167 = arith.constant 0 : i32
    %scan3A_168 = arith.constant 0 : i32
    %scan3A_169 = arith.constant 16 : i32
    %scan3A_170 = arith.addi %scan3A_168, %scan3A_169 : i32
    %scan3A_171 = arith.constant 1 : i32
    %scan3A_172 = scf.for %scan3A_486 = %scan3A_168 to %scan3A_170 step %scan3A_171 iter_args(%scan3A_487 = %scan3A_167) -> (i32)  : i32 {
      %parallel_loop3A = arith.constant 0 : i32
      %parallel_loop3A_488 = arith.constant 1024 : i32
      %parallel_loop3A_489 = arith.constant 16 : i32
      scf.for %parallel_loop3A_491 = %parallel_loop3A to %parallel_loop3A_488 step %parallel_loop3A_489  : i32 {
        %parallel_loop3A_492 = arith.index_cast %scan3A_486 : i32 to index
        %parallel_loop3A_493 = arith.index_cast %parallel_loop3A_491 : i32 to index
        %parallel_loop3A_494 = tpu.vector_load %arg9[%parallel_loop3A_492, %parallel_loop3A_493] {strides = array<i32>} : memref<16x1024xf32, #tpu.memory_space<vmem>>, vector<1x16xf32>,
        %parallel_loop3A_495 = vector.shape_cast %parallel_loop3A_494 : vector<1x16xf32> to vector<16xf32>
        %parallel_loop3A_496 = arith.constant 3.125000e-02 : f32
        %parallel_loop3A_497 = vector.broadcast %parallel_loop3A_496 : f32 to vector<16xf32>
        %parallel_loop3A_498 = arith.mulf %parallel_loop3A_495, %parallel_loop3A_497 : vector<16xf32>
        %parallel_loop3A_499 = arith.index_cast %scan3A_486 : i32 to index
        %parallel_loop3A_500 = arith.index_cast %parallel_loop3A_491 : i32 to index
        %parallel_loop3A_501 = tpu.vector_load %arg9[%parallel_loop3A_499, %parallel_loop3A_500] {strides = array<i32>} : memref<16x1024xf32, #tpu.memory_space<vmem>>, vector<1x16xf32>,
        %parallel_loop3A_502 = vector.shape_cast %parallel_loop3A_501 : vector<1x16xf32> to vector<16xf32>
        %parallel_loop3A_503 = vector.shape_cast %parallel_loop3A_498 : vector<16xf32> to vector<1x16xf32>
        tpu.vector_store %arg9[%parallel_loop3A_499, %parallel_loop3A_500], %parallel_loop3A_503 {strides = array<i32>} : memref<16x1024xf32, #tpu.memory_space<vmem>>, vector<1x16xf32>,
      } {sc.loop_unroll_factor = 8 : i64, sc.parallel_access}
      %scan3A_490 = arith.constant 0 : i32
      scf.yield %scan3A_490 : i32
    }
    %scan3A_173 = arith.constant 16 : i32
    %add3A_174 = arith.constant 64 : i32
    %add3A_175 = arith.addi %mul3A_2, %add3A_174 : i32
    %dma_start3A_176 = arith.constant 0 : i32
    %dma_start3A_177 = tpu.memref_slice %arg3[%add3A_175, %dma_start3A_176] : memref<8192x1024xf32, #tpu.memory_space<hbm>> -> memref<16x1024xf32, #tpu.memory_space<hbm>>
    %dma_start3A_178 = arith.constant 0 : i32
    %dma_start3A_179 = tpu.memref_slice %arg3[%add3A_175, %dma_start3A_178] : memref<8192x1024xf32, #tpu.memory_space<hbm>> -> memref<16x1024xf32, #tpu.memory_space<hbm>>
    tpu.enqueue_dma source(%arg9 : memref<16x1024xf32, #tpu.memory_space<vmem>>) target(%dma_start3A_179 : memref<16x1024xf32, #tpu.memory_space<hbm>>) target_semaphore(%arg25 : memref<!tpu.dma_semaphore, #tpu.memory_space<semaphore_mem>>)
    %dma_wait3A_180 = arith.constant 0 : i32
    %dma_wait3A_181 = tpu.memref_slice %arg3[%add3A_175, %dma_wait3A_180] : memref<8192x1024xf32, #tpu.memory_space<hbm>> -> memref<16x1024xf32, #tpu.memory_space<hbm>>
    %dma_wait3A_182 = arith.constant 0 : i32
    %dma_wait3A_183 = tpu.memref_slice %arg3[%add3A_175, %dma_wait3A_182] : memref<8192x1024xf32, #tpu.memory_space<hbm>> -> memref<16x1024xf32, #tpu.memory_space<hbm>>
    tpu.wait_dma2 semaphore(%arg25 : memref<!tpu.dma_semaphore, #tpu.memory_space<semaphore_mem>>) src(%arg9 : memref<16x1024xf32, #tpu.memory_space<vmem>>) dst(%dma_wait3A_183 : memref<16x1024xf32, #tpu.memory_space<hbm>>)
    %add3A_184 = arith.constant 160 : i32
    %add3A_185 = arith.addi %mul3A_2, %add3A_184 : i32
    %dma_start3A_186 = arith.constant 0 : i32
    %dma_start3A_187 = tpu.memref_slice %arg2[%add3A_185, %dma_start3A_186] : memref<8192x1024xf32, #tpu.memory_space<hbm>> -> memref<16x1024xf32, #tpu.memory_space<hbm>>
    %dma_start3A_188 = arith.constant 0 : i32
    %dma_start3A_189 = tpu.memref_slice %arg2[%add3A_185, %dma_start3A_188] : memref<8192x1024xf32, #tpu.memory_space<hbm>> -> memref<16x1024xf32, #tpu.memory_space<hbm>>
    tpu.enqueue_dma source(%dma_start3A_189 : memref<16x1024xf32, #tpu.memory_space<hbm>>) target(%arg9 : memref<16x1024xf32, #tpu.memory_space<vmem>>) target_semaphore(%arg17 : memref<!tpu.dma_semaphore, #tpu.memory_space<semaphore_mem>>)
    %dma_wait3A_190 = arith.constant 0 : i32
    %dma_wait3A_191 = tpu.memref_slice %arg2[%add3A_54, %dma_wait3A_190] : memref<8192x1024xf32, #tpu.memory_space<hbm>> -> memref<16x1024xf32, #tpu.memory_space<hbm>>
    %dma_wait3A_192 = arith.constant 0 : i32
    %dma_wait3A_193 = tpu.memref_slice %arg2[%add3A_54, %dma_wait3A_192] : memref<8192x1024xf32, #tpu.memory_space<hbm>> -> memref<16x1024xf32, #tpu.memory_space<hbm>>
    tpu.wait_dma2 semaphore(%arg18 : memref<!tpu.dma_semaphore, #tpu.memory_space<semaphore_mem>>) src(%dma_wait3A_193 : memref<16x1024xf32, #tpu.memory_space<hbm>>) dst(%arg10 : memref<16x1024xf32, #tpu.memory_space<vmem>>)
    %scan3A_194 = arith.constant 0 : i32
    %scan3A_195 = arith.constant 0 : i32
    %scan3A_196 = arith.constant 16 : i32
    %scan3A_197 = arith.addi %scan3A_195, %scan3A_196 : i32
    %scan3A_198 = arith.constant 1 : i32
    %scan3A_199 = scf.for %scan3A_486 = %scan3A_195 to %scan3A_197 step %scan3A_198 iter_args(%scan3A_487 = %scan3A_194) -> (i32)  : i32 {
      %parallel_loop3A = arith.constant 0 : i32
      %parallel_loop3A_488 = arith.constant 1024 : i32
      %parallel_loop3A_489 = arith.constant 16 : i32
      scf.for %parallel_loop3A_491 = %parallel_loop3A to %parallel_loop3A_488 step %parallel_loop3A_489  : i32 {
        %parallel_loop3A_492 = arith.index_cast %scan3A_486 : i32 to index
        %parallel_loop3A_493 = arith.index_cast %parallel_loop3A_491 : i32 to index
        %parallel_loop3A_494 = tpu.vector_load %arg10[%parallel_loop3A_492, %parallel_loop3A_493] {strides = array<i32>} : memref<16x1024xf32, #tpu.memory_space<vmem>>, vector<1x16xf32>,
        %parallel_loop3A_495 = vector.shape_cast %parallel_loop3A_494 : vector<1x16xf32> to vector<16xf32>
        %parallel_loop3A_496 = arith.constant 3.125000e-02 : f32
        %parallel_loop3A_497 = vector.broadcast %parallel_loop3A_496 : f32 to vector<16xf32>
        %parallel_loop3A_498 = arith.mulf %parallel_loop3A_495, %parallel_loop3A_497 : vector<16xf32>
        %parallel_loop3A_499 = arith.index_cast %scan3A_486 : i32 to index
        %parallel_loop3A_500 = arith.index_cast %parallel_loop3A_491 : i32 to index
        %parallel_loop3A_501 = tpu.vector_load %arg10[%parallel_loop3A_499, %parallel_loop3A_500] {strides = array<i32>} : memref<16x1024xf32, #tpu.memory_space<vmem>>, vector<1x16xf32>,
        %parallel_loop3A_502 = vector.shape_cast %parallel_loop3A_501 : vector<1x16xf32> to vector<16xf32>
        %parallel_loop3A_503 = vector.shape_cast %parallel_loop3A_498 : vector<16xf32> to vector<1x16xf32>
        tpu.vector_store %arg10[%parallel_loop3A_499, %parallel_loop3A_500], %parallel_loop3A_503 {strides = array<i32>} : memref<16x1024xf32, #tpu.memory_space<vmem>>, vector<1x16xf32>,
      } {sc.loop_unroll_factor = 8 : i64, sc.parallel_access}
      %scan3A_490 = arith.constant 0 : i32
      scf.yield %scan3A_490 : i32
    }
    %scan3A_200 = arith.constant 16 : i32
    %add3A_201 = arith.constant 80 : i32
    %add3A_202 = arith.addi %mul3A_2, %add3A_201 : i32
    %dma_start3A_203 = arith.constant 0 : i32
    %dma_start3A_204 = tpu.memref_slice %arg3[%add3A_202, %dma_start3A_203] : memref<8192x1024xf32, #tpu.memory_space<hbm>> -> memref<16x1024xf32, #tpu.memory_space<hbm>>
    %dma_start3A_205 = arith.constant 0 : i32
    %dma_start3A_206 = tpu.memref_slice %arg3[%add3A_202, %dma_start3A_205] : memref<8192x1024xf32, #tpu.memory_space<hbm>> -> memref<16x1024xf32, #tpu.memory_space<hbm>>
    tpu.enqueue_dma source(%arg10 : memref<16x1024xf32, #tpu.memory_space<vmem>>) target(%dma_start3A_206 : memref<16x1024xf32, #tpu.memory_space<hbm>>) target_semaphore(%arg26 : memref<!tpu.dma_semaphore, #tpu.memory_space<semaphore_mem>>)
    %dma_wait3A_207 = arith.constant 0 : i32
    %dma_wait3A_208 = tpu.memref_slice %arg3[%add3A_202, %dma_wait3A_207] : memref<8192x1024xf32, #tpu.memory_space<hbm>> -> memref<16x1024xf32, #tpu.memory_space<hbm>>
    %dma_wait3A_209 = arith.constant 0 : i32
    %dma_wait3A_210 = tpu.memref_slice %arg3[%add3A_202, %dma_wait3A_209] : memref<8192x1024xf32, #tpu.memory_space<hbm>> -> memref<16x1024xf32, #tpu.memory_space<hbm>>
    tpu.wait_dma2 semaphore(%arg26 : memref<!tpu.dma_semaphore, #tpu.memory_space<semaphore_mem>>) src(%arg10 : memref<16x1024xf32, #tpu.memory_space<vmem>>) dst(%dma_wait3A_210 : memref<16x1024xf32, #tpu.memory_space<hbm>>)
    %add3A_211 = arith.constant 176 : i32
    %add3A_212 = arith.addi %mul3A_2, %add3A_211 : i32
    %dma_start3A_213 = arith.constant 0 : i32
    %dma_start3A_214 = tpu.memref_slice %arg2[%add3A_212, %dma_start3A_213] : memref<8192x1024xf32, #tpu.memory_space<hbm>> -> memref<16x1024xf32, #tpu.memory_space<hbm>>
    %dma_start3A_215 = arith.constant 0 : i32
    %dma_start3A_216 = tpu.memref_slice %arg2[%add3A_212, %dma_start3A_215] : memref<8192x1024xf32, #tpu.memory_space<hbm>> -> memref<16x1024xf32, #tpu.memory_space<hbm>>
    tpu.enqueue_dma source(%dma_start3A_216 : memref<16x1024xf32, #tpu.memory_space<hbm>>) target(%arg10 : memref<16x1024xf32, #tpu.memory_space<vmem>>) target_semaphore(%arg18 : memref<!tpu.dma_semaphore, #tpu.memory_space<semaphore_mem>>)
    %dma_wait3A_217 = arith.constant 0 : i32
    %dma_wait3A_218 = tpu.memref_slice %arg2[%add3A_77, %dma_wait3A_217] : memref<8192x1024xf32, #tpu.memory_space<hbm>> -> memref<16x1024xf32, #tpu.memory_space<hbm>>
    %dma_wait3A_219 = arith.constant 0 : i32
    %dma_wait3A_220 = tpu.memref_slice %arg2[%add3A_77, %dma_wait3A_219] : memref<8192x1024xf32, #tpu.memory_space<hbm>> -> memref<16x1024xf32, #tpu.memory_space<hbm>>
    tpu.wait_dma2 semaphore(%arg19 : memref<!tpu.dma_semaphore, #tpu.memory_space<semaphore_mem>>) src(%dma_wait3A_220 : memref<16x1024xf32, #tpu.memory_space<hbm>>) dst(%arg11 : memref<16x1024xf32, #tpu.memory_space<vmem>>)
    %scan3A_221 = arith.constant 0 : i32
    %scan3A_222 = arith.constant 0 : i32
    %scan3A_223 = arith.constant 16 : i32
    %scan3A_224 = arith.addi %scan3A_222, %scan3A_223 : i32
    %scan3A_225 = arith.constant 1 : i32
    %scan3A_226 = scf.for %scan3A_486 = %scan3A_222 to %scan3A_224 step %scan3A_225 iter_args(%scan3A_487 = %scan3A_221) -> (i32)  : i32 {
      %parallel_loop3A = arith.constant 0 : i32
      %parallel_loop3A_488 = arith.constant 1024 : i32
      %parallel_loop3A_489 = arith.constant 16 : i32
      scf.for %parallel_loop3A_491 = %parallel_loop3A to %parallel_loop3A_488 step %parallel_loop3A_489  : i32 {
        %parallel_loop3A_492 = arith.index_cast %scan3A_486 : i32 to index
        %parallel_loop3A_493 = arith.index_cast %parallel_loop3A_491 : i32 to index
        %parallel_loop3A_494 = tpu.vector_load %arg11[%parallel_loop3A_492, %parallel_loop3A_493] {strides = array<i32>} : memref<16x1024xf32, #tpu.memory_space<vmem>>, vector<1x16xf32>,
        %parallel_loop3A_495 = vector.shape_cast %parallel_loop3A_494 : vector<1x16xf32> to vector<16xf32>
        %parallel_loop3A_496 = arith.constant 3.125000e-02 : f32
        %parallel_loop3A_497 = vector.broadcast %parallel_loop3A_496 : f32 to vector<16xf32>
        %parallel_loop3A_498 = arith.mulf %parallel_loop3A_495, %parallel_loop3A_497 : vector<16xf32>
        %parallel_loop3A_499 = arith.index_cast %scan3A_486 : i32 to index
        %parallel_loop3A_500 = arith.index_cast %parallel_loop3A_491 : i32 to index
        %parallel_loop3A_501 = tpu.vector_load %arg11[%parallel_loop3A_499, %parallel_loop3A_500] {strides = array<i32>} : memref<16x1024xf32, #tpu.memory_space<vmem>>, vector<1x16xf32>,
        %parallel_loop3A_502 = vector.shape_cast %parallel_loop3A_501 : vector<1x16xf32> to vector<16xf32>
        %parallel_loop3A_503 = vector.shape_cast %parallel_loop3A_498 : vector<16xf32> to vector<1x16xf32>
        tpu.vector_store %arg11[%parallel_loop3A_499, %parallel_loop3A_500], %parallel_loop3A_503 {strides = array<i32>} : memref<16x1024xf32, #tpu.memory_space<vmem>>, vector<1x16xf32>,
      } {sc.loop_unroll_factor = 8 : i64, sc.parallel_access}
      %scan3A_490 = arith.constant 0 : i32
      scf.yield %scan3A_490 : i32
    }
    %scan3A_227 = arith.constant 16 : i32
    %add3A_228 = arith.constant 96 : i32
    %add3A_229 = arith.addi %mul3A_2, %add3A_228 : i32
    %dma_start3A_230 = arith.constant 0 : i32
    %dma_start3A_231 = tpu.memref_slice %arg3[%add3A_229, %dma_start3A_230] : memref<8192x1024xf32, #tpu.memory_space<hbm>> -> memref<16x1024xf32, #tpu.memory_space<hbm>>
    %dma_start3A_232 = arith.constant 0 : i32
    %dma_start3A_233 = tpu.memref_slice %arg3[%add3A_229, %dma_start3A_232] : memref<8192x1024xf32, #tpu.memory_space<hbm>> -> memref<16x1024xf32, #tpu.memory_space<hbm>>
    tpu.enqueue_dma source(%arg11 : memref<16x1024xf32, #tpu.memory_space<vmem>>) target(%dma_start3A_233 : memref<16x1024xf32, #tpu.memory_space<hbm>>) target_semaphore(%arg27 : memref<!tpu.dma_semaphore, #tpu.memory_space<semaphore_mem>>)
    %dma_wait3A_234 = arith.constant 0 : i32
    %dma_wait3A_235 = tpu.memref_slice %arg3[%add3A_229, %dma_wait3A_234] : memref<8192x1024xf32, #tpu.memory_space<hbm>> -> memref<16x1024xf32, #tpu.memory_space<hbm>>
    %dma_wait3A_236 = arith.constant 0 : i32
    %dma_wait3A_237 = tpu.memref_slice %arg3[%add3A_229, %dma_wait3A_236] : memref<8192x1024xf32, #tpu.memory_space<hbm>> -> memref<16x1024xf32, #tpu.memory_space<hbm>>
    tpu.wait_dma2 semaphore(%arg27 : memref<!tpu.dma_semaphore, #tpu.memory_space<semaphore_mem>>) src(%arg11 : memref<16x1024xf32, #tpu.memory_space<vmem>>) dst(%dma_wait3A_237 : memref<16x1024xf32, #tpu.memory_space<hbm>>)
    %add3A_238 = arith.constant 192 : i32
    %add3A_239 = arith.addi %mul3A_2, %add3A_238 : i32
    %dma_start3A_240 = arith.constant 0 : i32
    %dma_start3A_241 = tpu.memref_slice %arg2[%add3A_239, %dma_start3A_240] : memref<8192x1024xf32, #tpu.memory_space<hbm>> -> memref<16x1024xf32, #tpu.memory_space<hbm>>
    %dma_start3A_242 = arith.constant 0 : i32
    %dma_start3A_243 = tpu.memref_slice %arg2[%add3A_239, %dma_start3A_242] : memref<8192x1024xf32, #tpu.memory_space<hbm>> -> memref<16x1024xf32, #tpu.memory_space<hbm>>
    tpu.enqueue_dma source(%dma_start3A_243 : memref<16x1024xf32, #tpu.memory_space<hbm>>) target(%arg11 : memref<16x1024xf32, #tpu.memory_space<vmem>>) target_semaphore(%arg19 : memref<!tpu.dma_semaphore, #tpu.memory_space<semaphore_mem>>)
    %dma_wait3A_244 = arith.constant 0 : i32
    %dma_wait3A_245 = tpu.memref_slice %arg2[%add3A_104, %dma_wait3A_244] : memref<8192x1024xf32, #tpu.memory_space<hbm>> -> memref<16x1024xf32, #tpu.memory_space<hbm>>
    %dma_wait3A_246 = arith.constant 0 : i32
    %dma_wait3A_247 = tpu.memref_slice %arg2[%add3A_104, %dma_wait3A_246] : memref<8192x1024xf32, #tpu.memory_space<hbm>> -> memref<16x1024xf32, #tpu.memory_space<hbm>>
    tpu.wait_dma2 semaphore(%arg14 : memref<!tpu.dma_semaphore, #tpu.memory_space<semaphore_mem>>) src(%dma_wait3A_247 : memref<16x1024xf32, #tpu.memory_space<hbm>>) dst(%arg6 : memref<16x1024xf32, #tpu.memory_space<vmem>>)
    %scan3A_248 = arith.constant 0 : i32
    %scan3A_249 = arith.constant 0 : i32
    %scan3A_250 = arith.constant 16 : i32
    %scan3A_251 = arith.addi %scan3A_249, %scan3A_250 : i32
    %scan3A_252 = arith.constant 1 : i32
    %scan3A_253 = scf.for %scan3A_486 = %scan3A_249 to %scan3A_251 step %scan3A_252 iter_args(%scan3A_487 = %scan3A_248) -> (i32)  : i32 {
      %parallel_loop3A = arith.constant 0 : i32
      %parallel_loop3A_488 = arith.constant 1024 : i32
      %parallel_loop3A_489 = arith.constant 16 : i32
      scf.for %parallel_loop3A_491 = %parallel_loop3A to %parallel_loop3A_488 step %parallel_loop3A_489  : i32 {
        %parallel_loop3A_492 = arith.index_cast %scan3A_486 : i32 to index
        %parallel_loop3A_493 = arith.index_cast %parallel_loop3A_491 : i32 to index
        %parallel_loop3A_494 = tpu.vector_load %arg6[%parallel_loop3A_492, %parallel_loop3A_493] {strides = array<i32>} : memref<16x1024xf32, #tpu.memory_space<vmem>>, vector<1x16xf32>,
        %parallel_loop3A_495 = vector.shape_cast %parallel_loop3A_494 : vector<1x16xf32> to vector<16xf32>
        %parallel_loop3A_496 = arith.constant 3.125000e-02 : f32
        %parallel_loop3A_497 = vector.broadcast %parallel_loop3A_496 : f32 to vector<16xf32>
        %parallel_loop3A_498 = arith.mulf %parallel_loop3A_495, %parallel_loop3A_497 : vector<16xf32>
        %parallel_loop3A_499 = arith.index_cast %scan3A_486 : i32 to index
        %parallel_loop3A_500 = arith.index_cast %parallel_loop3A_491 : i32 to index
        %parallel_loop3A_501 = tpu.vector_load %arg6[%parallel_loop3A_499, %parallel_loop3A_500] {strides = array<i32>} : memref<16x1024xf32, #tpu.memory_space<vmem>>, vector<1x16xf32>,
        %parallel_loop3A_502 = vector.shape_cast %parallel_loop3A_501 : vector<1x16xf32> to vector<16xf32>
        %parallel_loop3A_503 = vector.shape_cast %parallel_loop3A_498 : vector<16xf32> to vector<1x16xf32>
        tpu.vector_store %arg6[%parallel_loop3A_499, %parallel_loop3A_500], %parallel_loop3A_503 {strides = array<i32>} : memref<16x1024xf32, #tpu.memory_space<vmem>>, vector<1x16xf32>,
      } {sc.loop_unroll_factor = 8 : i64, sc.parallel_access}
      %scan3A_490 = arith.constant 0 : i32
      scf.yield %scan3A_490 : i32
    }
    %scan3A_254 = arith.constant 16 : i32
    %add3A_255 = arith.constant 112 : i32
    %add3A_256 = arith.addi %mul3A_2, %add3A_255 : i32
    %dma_start3A_257 = arith.constant 0 : i32
    %dma_start3A_258 = tpu.memref_slice %arg3[%add3A_256, %dma_start3A_257] : memref<8192x1024xf32, #tpu.memory_space<hbm>> -> memref<16x1024xf32, #tpu.memory_space<hbm>>
    %dma_start3A_259 = arith.constant 0 : i32
    %dma_start3A_260 = tpu.memref_slice %arg3[%add3A_256, %dma_start3A_259] : memref<8192x1024xf32, #tpu.memory_space<hbm>> -> memref<16x1024xf32, #tpu.memory_space<hbm>>
    tpu.enqueue_dma source(%arg6 : memref<16x1024xf32, #tpu.memory_space<vmem>>) target(%dma_start3A_260 : memref<16x1024xf32, #tpu.memory_space<hbm>>) target_semaphore(%arg22 : memref<!tpu.dma_semaphore, #tpu.memory_space<semaphore_mem>>)
    %dma_wait3A_261 = arith.constant 0 : i32
    %dma_wait3A_262 = tpu.memref_slice %arg3[%add3A_256, %dma_wait3A_261] : memref<8192x1024xf32, #tpu.memory_space<hbm>> -> memref<16x1024xf32, #tpu.memory_space<hbm>>
    %dma_wait3A_263 = arith.constant 0 : i32
    %dma_wait3A_264 = tpu.memref_slice %arg3[%add3A_256, %dma_wait3A_263] : memref<8192x1024xf32, #tpu.memory_space<hbm>> -> memref<16x1024xf32, #tpu.memory_space<hbm>>
    tpu.wait_dma2 semaphore(%arg22 : memref<!tpu.dma_semaphore, #tpu.memory_space<semaphore_mem>>) src(%arg6 : memref<16x1024xf32, #tpu.memory_space<vmem>>) dst(%dma_wait3A_264 : memref<16x1024xf32, #tpu.memory_space<hbm>>)
    %add3A_265 = arith.constant 208 : i32
    %add3A_266 = arith.addi %mul3A_2, %add3A_265 : i32
    %dma_start3A_267 = arith.constant 0 : i32
    %dma_start3A_268 = tpu.memref_slice %arg2[%add3A_266, %dma_start3A_267] : memref<8192x1024xf32, #tpu.memory_space<hbm>> -> memref<16x1024xf32, #tpu.memory_space<hbm>>
    %dma_start3A_269 = arith.constant 0 : i32
    %dma_start3A_270 = tpu.memref_slice %arg2[%add3A_266, %dma_start3A_269] : memref<8192x1024xf32, #tpu.memory_space<hbm>> -> memref<16x1024xf32, #tpu.memory_space<hbm>>
    tpu.enqueue_dma source(%dma_start3A_270 : memref<16x1024xf32, #tpu.memory_space<hbm>>) target(%arg6 : memref<16x1024xf32, #tpu.memory_space<vmem>>) target_semaphore(%arg14 : memref<!tpu.dma_semaphore, #tpu.memory_space<semaphore_mem>>)
    %dma_wait3A_271 = arith.constant 0 : i32
    %dma_wait3A_272 = tpu.memref_slice %arg2[%add3A_131, %dma_wait3A_271] : memref<8192x1024xf32, #tpu.memory_space<hbm>> -> memref<16x1024xf32, #tpu.memory_space<hbm>>
    %dma_wait3A_273 = arith.constant 0 : i32
    %dma_wait3A_274 = tpu.memref_slice %arg2[%add3A_131, %dma_wait3A_273] : memref<8192x1024xf32, #tpu.memory_space<hbm>> -> memref<16x1024xf32, #tpu.memory_space<hbm>>
    tpu.wait_dma2 semaphore(%arg15 : memref<!tpu.dma_semaphore, #tpu.memory_space<semaphore_mem>>) src(%dma_wait3A_274 : memref<16x1024xf32, #tpu.memory_space<hbm>>) dst(%arg7 : memref<16x1024xf32, #tpu.memory_space<vmem>>)
    %scan3A_275 = arith.constant 0 : i32
    %scan3A_276 = arith.constant 0 : i32
    %scan3A_277 = arith.constant 16 : i32
    %scan3A_278 = arith.addi %scan3A_276, %scan3A_277 : i32
    %scan3A_279 = arith.constant 1 : i32
    %scan3A_280 = scf.for %scan3A_486 = %scan3A_276 to %scan3A_278 step %scan3A_279 iter_args(%scan3A_487 = %scan3A_275) -> (i32)  : i32 {
      %parallel_loop3A = arith.constant 0 : i32
      %parallel_loop3A_488 = arith.constant 1024 : i32
      %parallel_loop3A_489 = arith.constant 16 : i32
      scf.for %parallel_loop3A_491 = %parallel_loop3A to %parallel_loop3A_488 step %parallel_loop3A_489  : i32 {
        %parallel_loop3A_492 = arith.index_cast %scan3A_486 : i32 to index
        %parallel_loop3A_493 = arith.index_cast %parallel_loop3A_491 : i32 to index
        %parallel_loop3A_494 = tpu.vector_load %arg7[%parallel_loop3A_492, %parallel_loop3A_493] {strides = array<i32>} : memref<16x1024xf32, #tpu.memory_space<vmem>>, vector<1x16xf32>,
        %parallel_loop3A_495 = vector.shape_cast %parallel_loop3A_494 : vector<1x16xf32> to vector<16xf32>
        %parallel_loop3A_496 = arith.constant 3.125000e-02 : f32
        %parallel_loop3A_497 = vector.broadcast %parallel_loop3A_496 : f32 to vector<16xf32>
        %parallel_loop3A_498 = arith.mulf %parallel_loop3A_495, %parallel_loop3A_497 : vector<16xf32>
        %parallel_loop3A_499 = arith.index_cast %scan3A_486 : i32 to index
        %parallel_loop3A_500 = arith.index_cast %parallel_loop3A_491 : i32 to index
        %parallel_loop3A_501 = tpu.vector_load %arg7[%parallel_loop3A_499, %parallel_loop3A_500] {strides = array<i32>} : memref<16x1024xf32, #tpu.memory_space<vmem>>, vector<1x16xf32>,
        %parallel_loop3A_502 = vector.shape_cast %parallel_loop3A_501 : vector<1x16xf32> to vector<16xf32>
        %parallel_loop3A_503 = vector.shape_cast %parallel_loop3A_498 : vector<16xf32> to vector<1x16xf32>
        tpu.vector_store %arg7[%parallel_loop3A_499, %parallel_loop3A_500], %parallel_loop3A_503 {strides = array<i32>} : memref<16x1024xf32, #tpu.memory_space<vmem>>, vector<1x16xf32>,
      } {sc.loop_unroll_factor = 8 : i64, sc.parallel_access}
      %scan3A_490 = arith.constant 0 : i32
      scf.yield %scan3A_490 : i32
    }
    %scan3A_281 = arith.constant 16 : i32
    %add3A_282 = arith.constant 128 : i32
    %add3A_283 = arith.addi %mul3A_2, %add3A_282 : i32
    %dma_start3A_284 = arith.constant 0 : i32
    %dma_start3A_285 = tpu.memref_slice %arg3[%add3A_283, %dma_start3A_284] : memref<8192x1024xf32, #tpu.memory_space<hbm>> -> memref<16x1024xf32, #tpu.memory_space<hbm>>
    %dma_start3A_286 = arith.constant 0 : i32
    %dma_start3A_287 = tpu.memref_slice %arg3[%add3A_283, %dma_start3A_286] : memref<8192x1024xf32, #tpu.memory_space<hbm>> -> memref<16x1024xf32, #tpu.memory_space<hbm>>
    tpu.enqueue_dma source(%arg7 : memref<16x1024xf32, #tpu.memory_space<vmem>>) target(%dma_start3A_287 : memref<16x1024xf32, #tpu.memory_space<hbm>>) target_semaphore(%arg23 : memref<!tpu.dma_semaphore, #tpu.memory_space<semaphore_mem>>)
    %dma_wait3A_288 = arith.constant 0 : i32
    %dma_wait3A_289 = tpu.memref_slice %arg3[%add3A_283, %dma_wait3A_288] : memref<8192x1024xf32, #tpu.memory_space<hbm>> -> memref<16x1024xf32, #tpu.memory_space<hbm>>
    %dma_wait3A_290 = arith.constant 0 : i32
    %dma_wait3A_291 = tpu.memref_slice %arg3[%add3A_283, %dma_wait3A_290] : memref<8192x1024xf32, #tpu.memory_space<hbm>> -> memref<16x1024xf32, #tpu.memory_space<hbm>>
    tpu.wait_dma2 semaphore(%arg23 : memref<!tpu.dma_semaphore, #tpu.memory_space<semaphore_mem>>) src(%arg7 : memref<16x1024xf32, #tpu.memory_space<vmem>>) dst(%dma_wait3A_291 : memref<16x1024xf32, #tpu.memory_space<hbm>>)
    %add3A_292 = arith.constant 224 : i32
    %add3A_293 = arith.addi %mul3A_2, %add3A_292 : i32
    %dma_start3A_294 = arith.constant 0 : i32
    %dma_start3A_295 = tpu.memref_slice %arg2[%add3A_293, %dma_start3A_294] : memref<8192x1024xf32, #tpu.memory_space<hbm>> -> memref<16x1024xf32, #tpu.memory_space<hbm>>
    %dma_start3A_296 = arith.constant 0 : i32
    %dma_start3A_297 = tpu.memref_slice %arg2[%add3A_293, %dma_start3A_296] : memref<8192x1024xf32, #tpu.memory_space<hbm>> -> memref<16x1024xf32, #tpu.memory_space<hbm>>
    tpu.enqueue_dma source(%dma_start3A_297 : memref<16x1024xf32, #tpu.memory_space<hbm>>) target(%arg7 : memref<16x1024xf32, #tpu.memory_space<vmem>>) target_semaphore(%arg15 : memref<!tpu.dma_semaphore, #tpu.memory_space<semaphore_mem>>)
    %dma_wait3A_298 = arith.constant 0 : i32
    %dma_wait3A_299 = tpu.memref_slice %arg2[%add3A_158, %dma_wait3A_298] : memref<8192x1024xf32, #tpu.memory_space<hbm>> -> memref<16x1024xf32, #tpu.memory_space<hbm>>
    %dma_wait3A_300 = arith.constant 0 : i32
    %dma_wait3A_301 = tpu.memref_slice %arg2[%add3A_158, %dma_wait3A_300] : memref<8192x1024xf32, #tpu.memory_space<hbm>> -> memref<16x1024xf32, #tpu.memory_space<hbm>>
    tpu.wait_dma2 semaphore(%arg16 : memref<!tpu.dma_semaphore, #tpu.memory_space<semaphore_mem>>) src(%dma_wait3A_301 : memref<16x1024xf32, #tpu.memory_space<hbm>>) dst(%arg8 : memref<16x1024xf32, #tpu.memory_space<vmem>>)
    %scan3A_302 = arith.constant 0 : i32
    %scan3A_303 = arith.constant 0 : i32
    %scan3A_304 = arith.constant 16 : i32
    %scan3A_305 = arith.addi %scan3A_303, %scan3A_304 : i32
    %scan3A_306 = arith.constant 1 : i32
    %scan3A_307 = scf.for %scan3A_486 = %scan3A_303 to %scan3A_305 step %scan3A_306 iter_args(%scan3A_487 = %scan3A_302) -> (i32)  : i32 {
      %parallel_loop3A = arith.constant 0 : i32
      %parallel_loop3A_488 = arith.constant 1024 : i32
      %parallel_loop3A_489 = arith.constant 16 : i32
      scf.for %parallel_loop3A_491 = %parallel_loop3A to %parallel_loop3A_488 step %parallel_loop3A_489  : i32 {
        %parallel_loop3A_492 = arith.index_cast %scan3A_486 : i32 to index
        %parallel_loop3A_493 = arith.index_cast %parallel_loop3A_491 : i32 to index
        %parallel_loop3A_494 = tpu.vector_load %arg8[%parallel_loop3A_492, %parallel_loop3A_493] {strides = array<i32>} : memref<16x1024xf32, #tpu.memory_space<vmem>>, vector<1x16xf32>,
        %parallel_loop3A_495 = vector.shape_cast %parallel_loop3A_494 : vector<1x16xf32> to vector<16xf32>
        %parallel_loop3A_496 = arith.constant 3.125000e-02 : f32
        %parallel_loop3A_497 = vector.broadcast %parallel_loop3A_496 : f32 to vector<16xf32>
        %parallel_loop3A_498 = arith.mulf %parallel_loop3A_495, %parallel_loop3A_497 : vector<16xf32>
        %parallel_loop3A_499 = arith.index_cast %scan3A_486 : i32 to index
        %parallel_loop3A_500 = arith.index_cast %parallel_loop3A_491 : i32 to index
        %parallel_loop3A_501 = tpu.vector_load %arg8[%parallel_loop3A_499, %parallel_loop3A_500] {strides = array<i32>} : memref<16x1024xf32, #tpu.memory_space<vmem>>, vector<1x16xf32>,
        %parallel_loop3A_502 = vector.shape_cast %parallel_loop3A_501 : vector<1x16xf32> to vector<16xf32>
        %parallel_loop3A_503 = vector.shape_cast %parallel_loop3A_498 : vector<16xf32> to vector<1x16xf32>
        tpu.vector_store %arg8[%parallel_loop3A_499, %parallel_loop3A_500], %parallel_loop3A_503 {strides = array<i32>} : memref<16x1024xf32, #tpu.memory_space<vmem>>, vector<1x16xf32>,
      } {sc.loop_unroll_factor = 8 : i64, sc.parallel_access}
      %scan3A_490 = arith.constant 0 : i32
      scf.yield %scan3A_490 : i32
    }
    %scan3A_308 = arith.constant 16 : i32
    %add3A_309 = arith.constant 144 : i32
    %add3A_310 = arith.addi %mul3A_2, %add3A_309 : i32
    %dma_start3A_311 = arith.constant 0 : i32
    %dma_start3A_312 = tpu.memref_slice %arg3[%add3A_310, %dma_start3A_311] : memref<8192x1024xf32, #tpu.memory_space<hbm>> -> memref<16x1024xf32, #tpu.memory_space<hbm>>
    %dma_start3A_313 = arith.constant 0 : i32
    %dma_start3A_314 = tpu.memref_slice %arg3[%add3A_310, %dma_start3A_313] : memref<8192x1024xf32, #tpu.memory_space<hbm>> -> memref<16x1024xf32, #tpu.memory_space<hbm>>
    tpu.enqueue_dma source(%arg8 : memref<16x1024xf32, #tpu.memory_space<vmem>>) target(%dma_start3A_314 : memref<16x1024xf32, #tpu.memory_space<hbm>>) target_semaphore(%arg24 : memref<!tpu.dma_semaphore, #tpu.memory_space<semaphore_mem>>)
    %dma_wait3A_315 = arith.constant 0 : i32
    %dma_wait3A_316 = tpu.memref_slice %arg3[%add3A_48, %dma_wait3A_315] : memref<8192x1024xf32, #tpu.memory_space<hbm>> -> memref<8x1024xf32, #tpu.memory_space<hbm>>
    %dma_wait3A_317 = arith.constant 0 : i32
    %dma_wait3A_318 = tpu.memref_slice %arg3[%add3A_48, %dma_wait3A_317] : memref<8192x1024xf32, #tpu.memory_space<hbm>> -> memref<8x1024xf32, #tpu.memory_space<hbm>>
    tpu.wait_dma2 semaphore(%arg20 : memref<!tpu.dma_semaphore, #tpu.memory_space<semaphore_mem>>) src(%arg4 : memref<8x1024xf32, #tpu.memory_space<vmem>>) dst(%dma_wait3A_318 : memref<8x1024xf32, #tpu.memory_space<hbm>>)
    %add3A_319 = arith.constant 240 : i32
    %add3A_320 = arith.addi %mul3A_2, %add3A_319 : i32
    %dma_start3A_321 = arith.constant 0 : i32
    %dma_start3A_322 = tpu.memref_slice %arg2[%add3A_320, %dma_start3A_321] : memref<8192x1024xf32, #tpu.memory_space<hbm>> -> memref<8x1024xf32, #tpu.memory_space<hbm>>
    %dma_start3A_323 = arith.constant 0 : i32
    %dma_start3A_324 = tpu.memref_slice %arg2[%add3A_320, %dma_start3A_323] : memref<8192x1024xf32, #tpu.memory_space<hbm>> -> memref<8x1024xf32, #tpu.memory_space<hbm>>
    tpu.enqueue_dma source(%dma_start3A_324 : memref<8x1024xf32, #tpu.memory_space<hbm>>) target(%arg4 : memref<8x1024xf32, #tpu.memory_space<vmem>>) target_semaphore(%arg12 : memref<!tpu.dma_semaphore, #tpu.memory_space<semaphore_mem>>)
    %dma_wait3A_325 = arith.constant 0 : i32
    %dma_wait3A_326 = tpu.memref_slice %arg2[%add3A_185, %dma_wait3A_325] : memref<8192x1024xf32, #tpu.memory_space<hbm>> -> memref<16x1024xf32, #tpu.memory_space<hbm>>
    %dma_wait3A_327 = arith.constant 0 : i32
    %dma_wait3A_328 = tpu.memref_slice %arg2[%add3A_185, %dma_wait3A_327] : memref<8192x1024xf32, #tpu.memory_space<hbm>> -> memref<16x1024xf32, #tpu.memory_space<hbm>>
    tpu.wait_dma2 semaphore(%arg17 : memref<!tpu.dma_semaphore, #tpu.memory_space<semaphore_mem>>) src(%dma_wait3A_328 : memref<16x1024xf32, #tpu.memory_space<hbm>>) dst(%arg9 : memref<16x1024xf32, #tpu.memory_space<vmem>>)
    %scan3A_329 = arith.constant 0 : i32
    %scan3A_330 = arith.constant 0 : i32
    %scan3A_331 = arith.constant 16 : i32
    %scan3A_332 = arith.addi %scan3A_330, %scan3A_331 : i32
    %scan3A_333 = arith.constant 1 : i32
    %scan3A_334 = scf.for %scan3A_486 = %scan3A_330 to %scan3A_332 step %scan3A_333 iter_args(%scan3A_487 = %scan3A_329) -> (i32)  : i32 {
      %parallel_loop3A = arith.constant 0 : i32
      %parallel_loop3A_488 = arith.constant 1024 : i32
      %parallel_loop3A_489 = arith.constant 16 : i32
      scf.for %parallel_loop3A_491 = %parallel_loop3A to %parallel_loop3A_488 step %parallel_loop3A_489  : i32 {
        %parallel_loop3A_492 = arith.index_cast %scan3A_486 : i32 to index
        %parallel_loop3A_493 = arith.index_cast %parallel_loop3A_491 : i32 to index
        %parallel_loop3A_494 = tpu.vector_load %arg9[%parallel_loop3A_492, %parallel_loop3A_493] {strides = array<i32>} : memref<16x1024xf32, #tpu.memory_space<vmem>>, vector<1x16xf32>,
        %parallel_loop3A_495 = vector.shape_cast %parallel_loop3A_494 : vector<1x16xf32> to vector<16xf32>
        %parallel_loop3A_496 = arith.constant 3.125000e-02 : f32
        %parallel_loop3A_497 = vector.broadcast %parallel_loop3A_496 : f32 to vector<16xf32>
        %parallel_loop3A_498 = arith.mulf %parallel_loop3A_495, %parallel_loop3A_497 : vector<16xf32>
        %parallel_loop3A_499 = arith.index_cast %scan3A_486 : i32 to index
        %parallel_loop3A_500 = arith.index_cast %parallel_loop3A_491 : i32 to index
        %parallel_loop3A_501 = tpu.vector_load %arg9[%parallel_loop3A_499, %parallel_loop3A_500] {strides = array<i32>} : memref<16x1024xf32, #tpu.memory_space<vmem>>, vector<1x16xf32>,
        %parallel_loop3A_502 = vector.shape_cast %parallel_loop3A_501 : vector<1x16xf32> to vector<16xf32>
        %parallel_loop3A_503 = vector.shape_cast %parallel_loop3A_498 : vector<16xf32> to vector<1x16xf32>
        tpu.vector_store %arg9[%parallel_loop3A_499, %parallel_loop3A_500], %parallel_loop3A_503 {strides = array<i32>} : memref<16x1024xf32, #tpu.memory_space<vmem>>, vector<1x16xf32>,
      } {sc.loop_unroll_factor = 8 : i64, sc.parallel_access}
      %scan3A_490 = arith.constant 0 : i32
      scf.yield %scan3A_490 : i32
    }
    %scan3A_335 = arith.constant 16 : i32
    %add3A_336 = arith.constant 160 : i32
    %add3A_337 = arith.addi %mul3A_2, %add3A_336 : i32
    %dma_start3A_338 = arith.constant 0 : i32
    %dma_start3A_339 = tpu.memref_slice %arg3[%add3A_337, %dma_start3A_338] : memref<8192x1024xf32, #tpu.memory_space<hbm>> -> memref<16x1024xf32, #tpu.memory_space<hbm>>
    %dma_start3A_340 = arith.constant 0 : i32
    %dma_start3A_341 = tpu.memref_slice %arg3[%add3A_337, %dma_start3A_340] : memref<8192x1024xf32, #tpu.memory_space<hbm>> -> memref<16x1024xf32, #tpu.memory_space<hbm>>
    tpu.enqueue_dma source(%arg9 : memref<16x1024xf32, #tpu.memory_space<vmem>>) target(%dma_start3A_341 : memref<16x1024xf32, #tpu.memory_space<hbm>>) target_semaphore(%arg25 : memref<!tpu.dma_semaphore, #tpu.memory_space<semaphore_mem>>)
    %dma_wait3A_342 = arith.constant 0 : i32
    %dma_wait3A_343 = tpu.memref_slice %arg3[%add3A_71, %dma_wait3A_342] : memref<8192x1024xf32, #tpu.memory_space<hbm>> -> memref<8x1024xf32, #tpu.memory_space<hbm>>
    %dma_wait3A_344 = arith.constant 0 : i32
    %dma_wait3A_345 = tpu.memref_slice %arg3[%add3A_71, %dma_wait3A_344] : memref<8192x1024xf32, #tpu.memory_space<hbm>> -> memref<8x1024xf32, #tpu.memory_space<hbm>>
    tpu.wait_dma2 semaphore(%arg21 : memref<!tpu.dma_semaphore, #tpu.memory_space<semaphore_mem>>) src(%arg5 : memref<8x1024xf32, #tpu.memory_space<vmem>>) dst(%dma_wait3A_345 : memref<8x1024xf32, #tpu.memory_space<hbm>>)
    %add3A_346 = arith.constant 248 : i32
    %add3A_347 = arith.addi %mul3A_2, %add3A_346 : i32
    %dma_start3A_348 = arith.constant 0 : i32
    %dma_start3A_349 = tpu.memref_slice %arg2[%add3A_347, %dma_start3A_348] : memref<8192x1024xf32, #tpu.memory_space<hbm>> -> memref<8x1024xf32, #tpu.memory_space<hbm>>
    %dma_start3A_350 = arith.constant 0 : i32
    %dma_start3A_351 = tpu.memref_slice %arg2[%add3A_347, %dma_start3A_350] : memref<8192x1024xf32, #tpu.memory_space<hbm>> -> memref<8x1024xf32, #tpu.memory_space<hbm>>
    tpu.enqueue_dma source(%dma_start3A_351 : memref<8x1024xf32, #tpu.memory_space<hbm>>) target(%arg5 : memref<8x1024xf32, #tpu.memory_space<vmem>>) target_semaphore(%arg13 : memref<!tpu.dma_semaphore, #tpu.memory_space<semaphore_mem>>)
    %dma_wait3A_352 = arith.constant 0 : i32
    %dma_wait3A_353 = tpu.memref_slice %arg2[%add3A_212, %dma_wait3A_352] : memref<8192x1024xf32, #tpu.memory_space<hbm>> -> memref<16x1024xf32, #tpu.memory_space<hbm>>
    %dma_wait3A_354 = arith.constant 0 : i32
    %dma_wait3A_355 = tpu.memref_slice %arg2[%add3A_212, %dma_wait3A_354] : memref<8192x1024xf32, #tpu.memory_space<hbm>> -> memref<16x1024xf32, #tpu.memory_space<hbm>>
    tpu.wait_dma2 semaphore(%arg18 : memref<!tpu.dma_semaphore, #tpu.memory_space<semaphore_mem>>) src(%dma_wait3A_355 : memref<16x1024xf32, #tpu.memory_space<hbm>>) dst(%arg10 : memref<16x1024xf32, #tpu.memory_space<vmem>>)
    %scan3A_356 = arith.constant 0 : i32
    %scan3A_357 = arith.constant 0 : i32
    %scan3A_358 = arith.constant 16 : i32
    %scan3A_359 = arith.addi %scan3A_357, %scan3A_358 : i32
    %scan3A_360 = arith.constant 1 : i32
    %scan3A_361 = scf.for %scan3A_486 = %scan3A_357 to %scan3A_359 step %scan3A_360 iter_args(%scan3A_487 = %scan3A_356) -> (i32)  : i32 {
      %parallel_loop3A = arith.constant 0 : i32
      %parallel_loop3A_488 = arith.constant 1024 : i32
      %parallel_loop3A_489 = arith.constant 16 : i32
      scf.for %parallel_loop3A_491 = %parallel_loop3A to %parallel_loop3A_488 step %parallel_loop3A_489  : i32 {
        %parallel_loop3A_492 = arith.index_cast %scan3A_486 : i32 to index
        %parallel_loop3A_493 = arith.index_cast %parallel_loop3A_491 : i32 to index
        %parallel_loop3A_494 = tpu.vector_load %arg10[%parallel_loop3A_492, %parallel_loop3A_493] {strides = array<i32>} : memref<16x1024xf32, #tpu.memory_space<vmem>>, vector<1x16xf32>,
        %parallel_loop3A_495 = vector.shape_cast %parallel_loop3A_494 : vector<1x16xf32> to vector<16xf32>
        %parallel_loop3A_496 = arith.constant 3.125000e-02 : f32
        %parallel_loop3A_497 = vector.broadcast %parallel_loop3A_496 : f32 to vector<16xf32>
        %parallel_loop3A_498 = arith.mulf %parallel_loop3A_495, %parallel_loop3A_497 : vector<16xf32>
        %parallel_loop3A_499 = arith.index_cast %scan3A_486 : i32 to index
        %parallel_loop3A_500 = arith.index_cast %parallel_loop3A_491 : i32 to index
        %parallel_loop3A_501 = tpu.vector_load %arg10[%parallel_loop3A_499, %parallel_loop3A_500] {strides = array<i32>} : memref<16x1024xf32, #tpu.memory_space<vmem>>, vector<1x16xf32>,
        %parallel_loop3A_502 = vector.shape_cast %parallel_loop3A_501 : vector<1x16xf32> to vector<16xf32>
        %parallel_loop3A_503 = vector.shape_cast %parallel_loop3A_498 : vector<16xf32> to vector<1x16xf32>
        tpu.vector_store %arg10[%parallel_loop3A_499, %parallel_loop3A_500], %parallel_loop3A_503 {strides = array<i32>} : memref<16x1024xf32, #tpu.memory_space<vmem>>, vector<1x16xf32>,
      } {sc.loop_unroll_factor = 8 : i64, sc.parallel_access}
      %scan3A_490 = arith.constant 0 : i32
      scf.yield %scan3A_490 : i32
    }
    %scan3A_362 = arith.constant 16 : i32
    %add3A_363 = arith.constant 176 : i32
    %add3A_364 = arith.addi %mul3A_2, %add3A_363 : i32
    %dma_start3A_365 = arith.constant 0 : i32
    %dma_start3A_366 = tpu.memref_slice %arg3[%add3A_364, %dma_start3A_365] : memref<8192x1024xf32, #tpu.memory_space<hbm>> -> memref<16x1024xf32, #tpu.memory_space<hbm>>
    %dma_start3A_367 = arith.constant 0 : i32
    %dma_start3A_368 = tpu.memref_slice %arg3[%add3A_364, %dma_start3A_367] : memref<8192x1024xf32, #tpu.memory_space<hbm>> -> memref<16x1024xf32, #tpu.memory_space<hbm>>
    tpu.enqueue_dma source(%arg10 : memref<16x1024xf32, #tpu.memory_space<vmem>>) target(%dma_start3A_368 : memref<16x1024xf32, #tpu.memory_space<hbm>>) target_semaphore(%arg26 : memref<!tpu.dma_semaphore, #tpu.memory_space<semaphore_mem>>)
    %dma_wait3A_369 = arith.constant 0 : i32
    %dma_wait3A_370 = tpu.memref_slice %arg2[%add3A_239, %dma_wait3A_369] : memref<8192x1024xf32, #tpu.memory_space<hbm>> -> memref<16x1024xf32, #tpu.memory_space<hbm>>
    %dma_wait3A_371 = arith.constant 0 : i32
    %dma_wait3A_372 = tpu.memref_slice %arg2[%add3A_239, %dma_wait3A_371] : memref<8192x1024xf32, #tpu.memory_space<hbm>> -> memref<16x1024xf32, #tpu.memory_space<hbm>>
    tpu.wait_dma2 semaphore(%arg19 : memref<!tpu.dma_semaphore, #tpu.memory_space<semaphore_mem>>) src(%dma_wait3A_372 : memref<16x1024xf32, #tpu.memory_space<hbm>>) dst(%arg11 : memref<16x1024xf32, #tpu.memory_space<vmem>>)
    %scan3A_373 = arith.constant 0 : i32
    %scan3A_374 = arith.constant 0 : i32
    %scan3A_375 = arith.constant 16 : i32
    %scan3A_376 = arith.addi %scan3A_374, %scan3A_375 : i32
    %scan3A_377 = arith.constant 1 : i32
    %scan3A_378 = scf.for %scan3A_486 = %scan3A_374 to %scan3A_376 step %scan3A_377 iter_args(%scan3A_487 = %scan3A_373) -> (i32)  : i32 {
      %parallel_loop3A = arith.constant 0 : i32
      %parallel_loop3A_488 = arith.constant 1024 : i32
      %parallel_loop3A_489 = arith.constant 16 : i32
      scf.for %parallel_loop3A_491 = %parallel_loop3A to %parallel_loop3A_488 step %parallel_loop3A_489  : i32 {
        %parallel_loop3A_492 = arith.index_cast %scan3A_486 : i32 to index
        %parallel_loop3A_493 = arith.index_cast %parallel_loop3A_491 : i32 to index
        %parallel_loop3A_494 = tpu.vector_load %arg11[%parallel_loop3A_492, %parallel_loop3A_493] {strides = array<i32>} : memref<16x1024xf32, #tpu.memory_space<vmem>>, vector<1x16xf32>,
        %parallel_loop3A_495 = vector.shape_cast %parallel_loop3A_494 : vector<1x16xf32> to vector<16xf32>
        %parallel_loop3A_496 = arith.constant 3.125000e-02 : f32
        %parallel_loop3A_497 = vector.broadcast %parallel_loop3A_496 : f32 to vector<16xf32>
        %parallel_loop3A_498 = arith.mulf %parallel_loop3A_495, %parallel_loop3A_497 : vector<16xf32>
        %parallel_loop3A_499 = arith.index_cast %scan3A_486 : i32 to index
        %parallel_loop3A_500 = arith.index_cast %parallel_loop3A_491 : i32 to index
        %parallel_loop3A_501 = tpu.vector_load %arg11[%parallel_loop3A_499, %parallel_loop3A_500] {strides = array<i32>} : memref<16x1024xf32, #tpu.memory_space<vmem>>, vector<1x16xf32>,
        %parallel_loop3A_502 = vector.shape_cast %parallel_loop3A_501 : vector<1x16xf32> to vector<16xf32>
        %parallel_loop3A_503 = vector.shape_cast %parallel_loop3A_498 : vector<16xf32> to vector<1x16xf32>
        tpu.vector_store %arg11[%parallel_loop3A_499, %parallel_loop3A_500], %parallel_loop3A_503 {strides = array<i32>} : memref<16x1024xf32, #tpu.memory_space<vmem>>, vector<1x16xf32>,
      } {sc.loop_unroll_factor = 8 : i64, sc.parallel_access}
      %scan3A_490 = arith.constant 0 : i32
      scf.yield %scan3A_490 : i32
    }
    %scan3A_379 = arith.constant 16 : i32
    %add3A_380 = arith.constant 192 : i32
    %add3A_381 = arith.addi %mul3A_2, %add3A_380 : i32
    %dma_start3A_382 = arith.constant 0 : i32
    %dma_start3A_383 = tpu.memref_slice %arg3[%add3A_381, %dma_start3A_382] : memref<8192x1024xf32, #tpu.memory_space<hbm>> -> memref<16x1024xf32, #tpu.memory_space<hbm>>
    %dma_start3A_384 = arith.constant 0 : i32
    %dma_start3A_385 = tpu.memref_slice %arg3[%add3A_381, %dma_start3A_384] : memref<8192x1024xf32, #tpu.memory_space<hbm>> -> memref<16x1024xf32, #tpu.memory_space<hbm>>
    tpu.enqueue_dma source(%arg11 : memref<16x1024xf32, #tpu.memory_space<vmem>>) target(%dma_start3A_385 : memref<16x1024xf32, #tpu.memory_space<hbm>>) target_semaphore(%arg27 : memref<!tpu.dma_semaphore, #tpu.memory_space<semaphore_mem>>)
    %dma_wait3A_386 = arith.constant 0 : i32
    %dma_wait3A_387 = tpu.memref_slice %arg2[%add3A_266, %dma_wait3A_386] : memref<8192x1024xf32, #tpu.memory_space<hbm>> -> memref<16x1024xf32, #tpu.memory_space<hbm>>
    %dma_wait3A_388 = arith.constant 0 : i32
    %dma_wait3A_389 = tpu.memref_slice %arg2[%add3A_266, %dma_wait3A_388] : memref<8192x1024xf32, #tpu.memory_space<hbm>> -> memref<16x1024xf32, #tpu.memory_space<hbm>>
    tpu.wait_dma2 semaphore(%arg14 : memref<!tpu.dma_semaphore, #tpu.memory_space<semaphore_mem>>) src(%dma_wait3A_389 : memref<16x1024xf32, #tpu.memory_space<hbm>>) dst(%arg6 : memref<16x1024xf32, #tpu.memory_space<vmem>>)
    %scan3A_390 = arith.constant 0 : i32
    %scan3A_391 = arith.constant 0 : i32
    %scan3A_392 = arith.constant 16 : i32
    %scan3A_393 = arith.addi %scan3A_391, %scan3A_392 : i32
    %scan3A_394 = arith.constant 1 : i32
    %scan3A_395 = scf.for %scan3A_486 = %scan3A_391 to %scan3A_393 step %scan3A_394 iter_args(%scan3A_487 = %scan3A_390) -> (i32)  : i32 {
      %parallel_loop3A = arith.constant 0 : i32
      %parallel_loop3A_488 = arith.constant 1024 : i32
      %parallel_loop3A_489 = arith.constant 16 : i32
      scf.for %parallel_loop3A_491 = %parallel_loop3A to %parallel_loop3A_488 step %parallel_loop3A_489  : i32 {
        %parallel_loop3A_492 = arith.index_cast %scan3A_486 : i32 to index
        %parallel_loop3A_493 = arith.index_cast %parallel_loop3A_491 : i32 to index
        %parallel_loop3A_494 = tpu.vector_load %arg6[%parallel_loop3A_492, %parallel_loop3A_493] {strides = array<i32>} : memref<16x1024xf32, #tpu.memory_space<vmem>>, vector<1x16xf32>,
        %parallel_loop3A_495 = vector.shape_cast %parallel_loop3A_494 : vector<1x16xf32> to vector<16xf32>
        %parallel_loop3A_496 = arith.constant 3.125000e-02 : f32
        %parallel_loop3A_497 = vector.broadcast %parallel_loop3A_496 : f32 to vector<16xf32>
        %parallel_loop3A_498 = arith.mulf %parallel_loop3A_495, %parallel_loop3A_497 : vector<16xf32>
        %parallel_loop3A_499 = arith.index_cast %scan3A_486 : i32 to index
        %parallel_loop3A_500 = arith.index_cast %parallel_loop3A_491 : i32 to index
        %parallel_loop3A_501 = tpu.vector_load %arg6[%parallel_loop3A_499, %parallel_loop3A_500] {strides = array<i32>} : memref<16x1024xf32, #tpu.memory_space<vmem>>, vector<1x16xf32>,
        %parallel_loop3A_502 = vector.shape_cast %parallel_loop3A_501 : vector<1x16xf32> to vector<16xf32>
        %parallel_loop3A_503 = vector.shape_cast %parallel_loop3A_498 : vector<16xf32> to vector<1x16xf32>
        tpu.vector_store %arg6[%parallel_loop3A_499, %parallel_loop3A_500], %parallel_loop3A_503 {strides = array<i32>} : memref<16x1024xf32, #tpu.memory_space<vmem>>, vector<1x16xf32>,
      } {sc.loop_unroll_factor = 8 : i64, sc.parallel_access}
      %scan3A_490 = arith.constant 0 : i32
      scf.yield %scan3A_490 : i32
    }
    %scan3A_396 = arith.constant 16 : i32
    %add3A_397 = arith.constant 208 : i32
    %add3A_398 = arith.addi %mul3A_2, %add3A_397 : i32
    %dma_start3A_399 = arith.constant 0 : i32
    %dma_start3A_400 = tpu.memref_slice %arg3[%add3A_398, %dma_start3A_399] : memref<8192x1024xf32, #tpu.memory_space<hbm>> -> memref<16x1024xf32, #tpu.memory_space<hbm>>
    %dma_start3A_401 = arith.constant 0 : i32
    %dma_start3A_402 = tpu.memref_slice %arg3[%add3A_398, %dma_start3A_401] : memref<8192x1024xf32, #tpu.memory_space<hbm>> -> memref<16x1024xf32, #tpu.memory_space<hbm>>
    tpu.enqueue_dma source(%arg6 : memref<16x1024xf32, #tpu.memory_space<vmem>>) target(%dma_start3A_402 : memref<16x1024xf32, #tpu.memory_space<hbm>>) target_semaphore(%arg22 : memref<!tpu.dma_semaphore, #tpu.memory_space<semaphore_mem>>)
    %dma_wait3A_403 = arith.constant 0 : i32
    %dma_wait3A_404 = tpu.memref_slice %arg2[%add3A_293, %dma_wait3A_403] : memref<8192x1024xf32, #tpu.memory_space<hbm>> -> memref<16x1024xf32, #tpu.memory_space<hbm>>
    %dma_wait3A_405 = arith.constant 0 : i32
    %dma_wait3A_406 = tpu.memref_slice %arg2[%add3A_293, %dma_wait3A_405] : memref<8192x1024xf32, #tpu.memory_space<hbm>> -> memref<16x1024xf32, #tpu.memory_space<hbm>>
    tpu.wait_dma2 semaphore(%arg15 : memref<!tpu.dma_semaphore, #tpu.memory_space<semaphore_mem>>) src(%dma_wait3A_406 : memref<16x1024xf32, #tpu.memory_space<hbm>>) dst(%arg7 : memref<16x1024xf32, #tpu.memory_space<vmem>>)
    %scan3A_407 = arith.constant 0 : i32
    %scan3A_408 = arith.constant 0 : i32
    %scan3A_409 = arith.constant 16 : i32
    %scan3A_410 = arith.addi %scan3A_408, %scan3A_409 : i32
    %scan3A_411 = arith.constant 1 : i32
    %scan3A_412 = scf.for %scan3A_486 = %scan3A_408 to %scan3A_410 step %scan3A_411 iter_args(%scan3A_487 = %scan3A_407) -> (i32)  : i32 {
      %parallel_loop3A = arith.constant 0 : i32
      %parallel_loop3A_488 = arith.constant 1024 : i32
      %parallel_loop3A_489 = arith.constant 16 : i32
      scf.for %parallel_loop3A_491 = %parallel_loop3A to %parallel_loop3A_488 step %parallel_loop3A_489  : i32 {
        %parallel_loop3A_492 = arith.index_cast %scan3A_486 : i32 to index
        %parallel_loop3A_493 = arith.index_cast %parallel_loop3A_491 : i32 to index
        %parallel_loop3A_494 = tpu.vector_load %arg7[%parallel_loop3A_492, %parallel_loop3A_493] {strides = array<i32>} : memref<16x1024xf32, #tpu.memory_space<vmem>>, vector<1x16xf32>,
        %parallel_loop3A_495 = vector.shape_cast %parallel_loop3A_494 : vector<1x16xf32> to vector<16xf32>
        %parallel_loop3A_496 = arith.constant 3.125000e-02 : f32
        %parallel_loop3A_497 = vector.broadcast %parallel_loop3A_496 : f32 to vector<16xf32>
        %parallel_loop3A_498 = arith.mulf %parallel_loop3A_495, %parallel_loop3A_497 : vector<16xf32>
        %parallel_loop3A_499 = arith.index_cast %scan3A_486 : i32 to index
        %parallel_loop3A_500 = arith.index_cast %parallel_loop3A_491 : i32 to index
        %parallel_loop3A_501 = tpu.vector_load %arg7[%parallel_loop3A_499, %parallel_loop3A_500] {strides = array<i32>} : memref<16x1024xf32, #tpu.memory_space<vmem>>, vector<1x16xf32>,
        %parallel_loop3A_502 = vector.shape_cast %parallel_loop3A_501 : vector<1x16xf32> to vector<16xf32>
        %parallel_loop3A_503 = vector.shape_cast %parallel_loop3A_498 : vector<16xf32> to vector<1x16xf32>
        tpu.vector_store %arg7[%parallel_loop3A_499, %parallel_loop3A_500], %parallel_loop3A_503 {strides = array<i32>} : memref<16x1024xf32, #tpu.memory_space<vmem>>, vector<1x16xf32>,
      } {sc.loop_unroll_factor = 8 : i64, sc.parallel_access}
      %scan3A_490 = arith.constant 0 : i32
      scf.yield %scan3A_490 : i32
    }
    %scan3A_413 = arith.constant 16 : i32
    %add3A_414 = arith.constant 224 : i32
    %add3A_415 = arith.addi %mul3A_2, %add3A_414 : i32
    %dma_start3A_416 = arith.constant 0 : i32
    %dma_start3A_417 = tpu.memref_slice %arg3[%add3A_415, %dma_start3A_416] : memref<8192x1024xf32, #tpu.memory_space<hbm>> -> memref<16x1024xf32, #tpu.memory_space<hbm>>
    %dma_start3A_418 = arith.constant 0 : i32
    %dma_start3A_419 = tpu.memref_slice %arg3[%add3A_415, %dma_start3A_418] : memref<8192x1024xf32, #tpu.memory_space<hbm>> -> memref<16x1024xf32, #tpu.memory_space<hbm>>
    tpu.enqueue_dma source(%arg7 : memref<16x1024xf32, #tpu.memory_space<vmem>>) target(%dma_start3A_419 : memref<16x1024xf32, #tpu.memory_space<hbm>>) target_semaphore(%arg23 : memref<!tpu.dma_semaphore, #tpu.memory_space<semaphore_mem>>)
    %dma_wait3A_420 = arith.constant 0 : i32
    %dma_wait3A_421 = tpu.memref_slice %arg2[%add3A_320, %dma_wait3A_420] : memref<8192x1024xf32, #tpu.memory_space<hbm>> -> memref<8x1024xf32, #tpu.memory_space<hbm>>
    %dma_wait3A_422 = arith.constant 0 : i32
    %dma_wait3A_423 = tpu.memref_slice %arg2[%add3A_320, %dma_wait3A_422] : memref<8192x1024xf32, #tpu.memory_space<hbm>> -> memref<8x1024xf32, #tpu.memory_space<hbm>>
    tpu.wait_dma2 semaphore(%arg12 : memref<!tpu.dma_semaphore, #tpu.memory_space<semaphore_mem>>) src(%dma_wait3A_423 : memref<8x1024xf32, #tpu.memory_space<hbm>>) dst(%arg4 : memref<8x1024xf32, #tpu.memory_space<vmem>>)
    %scan3A_424 = arith.constant 0 : i32
    %scan3A_425 = arith.constant 0 : i32
    %scan3A_426 = arith.constant 8 : i32
    %scan3A_427 = arith.addi %scan3A_425, %scan3A_426 : i32
    %scan3A_428 = arith.constant 1 : i32
    %scan3A_429 = scf.for %scan3A_486 = %scan3A_425 to %scan3A_427 step %scan3A_428 iter_args(%scan3A_487 = %scan3A_424) -> (i32)  : i32 {
      %parallel_loop3A = arith.constant 0 : i32
      %parallel_loop3A_488 = arith.constant 1024 : i32
      %parallel_loop3A_489 = arith.constant 16 : i32
      scf.for %parallel_loop3A_491 = %parallel_loop3A to %parallel_loop3A_488 step %parallel_loop3A_489  : i32 {
        %parallel_loop3A_492 = arith.index_cast %scan3A_486 : i32 to index
        %parallel_loop3A_493 = arith.index_cast %parallel_loop3A_491 : i32 to index
        %parallel_loop3A_494 = tpu.vector_load %arg4[%parallel_loop3A_492, %parallel_loop3A_493] {strides = array<i32>} : memref<8x1024xf32, #tpu.memory_space<vmem>>, vector<1x16xf32>,
        %parallel_loop3A_495 = vector.shape_cast %parallel_loop3A_494 : vector<1x16xf32> to vector<16xf32>
        %parallel_loop3A_496 = arith.constant 3.125000e-02 : f32
        %parallel_loop3A_497 = vector.broadcast %parallel_loop3A_496 : f32 to vector<16xf32>
        %parallel_loop3A_498 = arith.mulf %parallel_loop3A_495, %parallel_loop3A_497 : vector<16xf32>
        %parallel_loop3A_499 = arith.index_cast %scan3A_486 : i32 to index
        %parallel_loop3A_500 = arith.index_cast %parallel_loop3A_491 : i32 to index
        %parallel_loop3A_501 = tpu.vector_load %arg4[%parallel_loop3A_499, %parallel_loop3A_500] {strides = array<i32>} : memref<8x1024xf32, #tpu.memory_space<vmem>>, vector<1x16xf32>,
        %parallel_loop3A_502 = vector.shape_cast %parallel_loop3A_501 : vector<1x16xf32> to vector<16xf32>
        %parallel_loop3A_503 = vector.shape_cast %parallel_loop3A_498 : vector<16xf32> to vector<1x16xf32>
        tpu.vector_store %arg4[%parallel_loop3A_499, %parallel_loop3A_500], %parallel_loop3A_503 {strides = array<i32>} : memref<8x1024xf32, #tpu.memory_space<vmem>>, vector<1x16xf32>,
      } {sc.loop_unroll_factor = 8 : i64, sc.parallel_access}
      %scan3A_490 = arith.constant 0 : i32
      scf.yield %scan3A_490 : i32
    }
    %scan3A_430 = arith.constant 8 : i32
    %add3A_431 = arith.constant 240 : i32
    %add3A_432 = arith.addi %mul3A_2, %add3A_431 : i32
    %dma_start3A_433 = arith.constant 0 : i32
    %dma_start3A_434 = tpu.memref_slice %arg3[%add3A_432, %dma_start3A_433] : memref<8192x1024xf32, #tpu.memory_space<hbm>> -> memref<8x1024xf32, #tpu.memory_space<hbm>>
    %dma_start3A_435 = arith.constant 0 : i32
    %dma_start3A_436 = tpu.memref_slice %arg3[%add3A_432, %dma_start3A_435] : memref<8192x1024xf32, #tpu.memory_space<hbm>> -> memref<8x1024xf32, #tpu.memory_space<hbm>>
    tpu.enqueue_dma source(%arg4 : memref<8x1024xf32, #tpu.memory_space<vmem>>) target(%dma_start3A_436 : memref<8x1024xf32, #tpu.memory_space<hbm>>) target_semaphore(%arg20 : memref<!tpu.dma_semaphore, #tpu.memory_space<semaphore_mem>>)
    %dma_wait3A_437 = arith.constant 0 : i32
    %dma_wait3A_438 = tpu.memref_slice %arg2[%add3A_347, %dma_wait3A_437] : memref<8192x1024xf32, #tpu.memory_space<hbm>> -> memref<8x1024xf32, #tpu.memory_space<hbm>>
    %dma_wait3A_439 = arith.constant 0 : i32
    %dma_wait3A_440 = tpu.memref_slice %arg2[%add3A_347, %dma_wait3A_439] : memref<8192x1024xf32, #tpu.memory_space<hbm>> -> memref<8x1024xf32, #tpu.memory_space<hbm>>
    tpu.wait_dma2 semaphore(%arg13 : memref<!tpu.dma_semaphore, #tpu.memory_space<semaphore_mem>>) src(%dma_wait3A_440 : memref<8x1024xf32, #tpu.memory_space<hbm>>) dst(%arg5 : memref<8x1024xf32, #tpu.memory_space<vmem>>)
    %scan3A_441 = arith.constant 0 : i32
    %scan3A_442 = arith.constant 0 : i32
    %scan3A_443 = arith.constant 8 : i32
    %scan3A_444 = arith.addi %scan3A_442, %scan3A_443 : i32
    %scan3A_445 = arith.constant 1 : i32
    %scan3A_446 = scf.for %scan3A_486 = %scan3A_442 to %scan3A_444 step %scan3A_445 iter_args(%scan3A_487 = %scan3A_441) -> (i32)  : i32 {
      %parallel_loop3A = arith.constant 0 : i32
      %parallel_loop3A_488 = arith.constant 1024 : i32
      %parallel_loop3A_489 = arith.constant 16 : i32
      scf.for %parallel_loop3A_491 = %parallel_loop3A to %parallel_loop3A_488 step %parallel_loop3A_489  : i32 {
        %parallel_loop3A_492 = arith.index_cast %scan3A_486 : i32 to index
        %parallel_loop3A_493 = arith.index_cast %parallel_loop3A_491 : i32 to index
        %parallel_loop3A_494 = tpu.vector_load %arg5[%parallel_loop3A_492, %parallel_loop3A_493] {strides = array<i32>} : memref<8x1024xf32, #tpu.memory_space<vmem>>, vector<1x16xf32>,
        %parallel_loop3A_495 = vector.shape_cast %parallel_loop3A_494 : vector<1x16xf32> to vector<16xf32>
        %parallel_loop3A_496 = arith.constant 3.125000e-02 : f32
        %parallel_loop3A_497 = vector.broadcast %parallel_loop3A_496 : f32 to vector<16xf32>
        %parallel_loop3A_498 = arith.mulf %parallel_loop3A_495, %parallel_loop3A_497 : vector<16xf32>
        %parallel_loop3A_499 = arith.index_cast %scan3A_486 : i32 to index
        %parallel_loop3A_500 = arith.index_cast %parallel_loop3A_491 : i32 to index
        %parallel_loop3A_501 = tpu.vector_load %arg5[%parallel_loop3A_499, %parallel_loop3A_500] {strides = array<i32>} : memref<8x1024xf32, #tpu.memory_space<vmem>>, vector<1x16xf32>,
        %parallel_loop3A_502 = vector.shape_cast %parallel_loop3A_501 : vector<1x16xf32> to vector<16xf32>
        %parallel_loop3A_503 = vector.shape_cast %parallel_loop3A_498 : vector<16xf32> to vector<1x16xf32>
        tpu.vector_store %arg5[%parallel_loop3A_499, %parallel_loop3A_500], %parallel_loop3A_503 {strides = array<i32>} : memref<8x1024xf32, #tpu.memory_space<vmem>>, vector<1x16xf32>,
      } {sc.loop_unroll_factor = 8 : i64, sc.parallel_access}
      %scan3A_490 = arith.constant 0 : i32
      scf.yield %scan3A_490 : i32
    }
    %scan3A_447 = arith.constant 8 : i32
    %add3A_448 = arith.constant 248 : i32
    %add3A_449 = arith.addi %mul3A_2, %add3A_448 : i32
    %dma_start3A_450 = arith.constant 0 : i32
    %dma_start3A_451 = tpu.memref_slice %arg3[%add3A_449, %dma_start3A_450] : memref<8192x1024xf32, #tpu.memory_space<hbm>> -> memref<8x1024xf32, #tpu.memory_space<hbm>>
    %dma_start3A_452 = arith.constant 0 : i32
    %dma_start3A_453 = tpu.memref_slice %arg3[%add3A_449, %dma_start3A_452] : memref<8192x1024xf32, #tpu.memory_space<hbm>> -> memref<8x1024xf32, #tpu.memory_space<hbm>>
    tpu.enqueue_dma source(%arg5 : memref<8x1024xf32, #tpu.memory_space<vmem>>) target(%dma_start3A_453 : memref<8x1024xf32, #tpu.memory_space<hbm>>) target_semaphore(%arg21 : memref<!tpu.dma_semaphore, #tpu.memory_space<semaphore_mem>>)
    %dma_wait3A_454 = arith.constant 0 : i32
    %dma_wait3A_455 = tpu.memref_slice %arg3[%add3A_310, %dma_wait3A_454] : memref<8192x1024xf32, #tpu.memory_space<hbm>> -> memref<16x1024xf32, #tpu.memory_space<hbm>>
    %dma_wait3A_456 = arith.constant 0 : i32
    %dma_wait3A_457 = tpu.memref_slice %arg3[%add3A_310, %dma_wait3A_456] : memref<8192x1024xf32, #tpu.memory_space<hbm>> -> memref<16x1024xf32, #tpu.memory_space<hbm>>
    tpu.wait_dma2 semaphore(%arg24 : memref<!tpu.dma_semaphore, #tpu.memory_space<semaphore_mem>>) src(%arg8 : memref<16x1024xf32, #tpu.memory_space<vmem>>) dst(%dma_wait3A_457 : memref<16x1024xf32, #tpu.memory_space<hbm>>)
    %dma_wait3A_458 = arith.constant 0 : i32
    %dma_wait3A_459 = tpu.memref_slice %arg3[%add3A_337, %dma_wait3A_458] : memref<8192x1024xf32, #tpu.memory_space<hbm>> -> memref<16x1024xf32, #tpu.memory_space<hbm>>
    %dma_wait3A_460 = arith.constant 0 : i32
    %dma_wait3A_461 = tpu.memref_slice %arg3[%add3A_337, %dma_wait3A_460] : memref<8192x1024xf32, #tpu.memory_space<hbm>> -> memref<16x1024xf32, #tpu.memory_space<hbm>>
    tpu.wait_dma2 semaphore(%arg25 : memref<!tpu.dma_semaphore, #tpu.memory_space<semaphore_mem>>) src(%arg9 : memref<16x1024xf32, #tpu.memory_space<vmem>>) dst(%dma_wait3A_461 : memref<16x1024xf32, #tpu.memory_space<hbm>>)
    %dma_wait3A_462 = arith.constant 0 : i32
    %dma_wait3A_463 = tpu.memref_slice %arg3[%add3A_364, %dma_wait3A_462] : memref<8192x1024xf32, #tpu.memory_space<hbm>> -> memref<16x1024xf32, #tpu.memory_space<hbm>>
    %dma_wait3A_464 = arith.constant 0 : i32
    %dma_wait3A_465 = tpu.memref_slice %arg3[%add3A_364, %dma_wait3A_464] : memref<8192x1024xf32, #tpu.memory_space<hbm>> -> memref<16x1024xf32, #tpu.memory_space<hbm>>
    tpu.wait_dma2 semaphore(%arg26 : memref<!tpu.dma_semaphore, #tpu.memory_space<semaphore_mem>>) src(%arg10 : memref<16x1024xf32, #tpu.memory_space<vmem>>) dst(%dma_wait3A_465 : memref<16x1024xf32, #tpu.memory_space<hbm>>)
    %dma_wait3A_466 = arith.constant 0 : i32
    %dma_wait3A_467 = tpu.memref_slice %arg3[%add3A_381, %dma_wait3A_466] : memref<8192x1024xf32, #tpu.memory_space<hbm>> -> memref<16x1024xf32, #tpu.memory_space<hbm>>
    %dma_wait3A_468 = arith.constant 0 : i32
    %dma_wait3A_469 = tpu.memref_slice %arg3[%add3A_381, %dma_wait3A_468] : memref<8192x1024xf32, #tpu.memory_space<hbm>> -> memref<16x1024xf32, #tpu.memory_space<hbm>>
    tpu.wait_dma2 semaphore(%arg27 : memref<!tpu.dma_semaphore, #tpu.memory_space<semaphore_mem>>) src(%arg11 : memref<16x1024xf32, #tpu.memory_space<vmem>>) dst(%dma_wait3A_469 : memref<16x1024xf32, #tpu.memory_space<hbm>>)
    %dma_wait3A_470 = arith.constant 0 : i32
    %dma_wait3A_471 = tpu.memref_slice %arg3[%add3A_398, %dma_wait3A_470] : memref<8192x1024xf32, #tpu.memory_space<hbm>> -> memref<16x1024xf32, #tpu.memory_space<hbm>>
    %dma_wait3A_472 = arith.constant 0 : i32
    %dma_wait3A_473 = tpu.memref_slice %arg3[%add3A_398, %dma_wait3A_472] : memref<8192x1024xf32, #tpu.memory_space<hbm>> -> memref<16x1024xf32, #tpu.memory_space<hbm>>
    tpu.wait_dma2 semaphore(%arg22 : memref<!tpu.dma_semaphore, #tpu.memory_space<semaphore_mem>>) src(%arg6 : memref<16x1024xf32, #tpu.memory_space<vmem>>) dst(%dma_wait3A_473 : memref<16x1024xf32, #tpu.memory_space<hbm>>)
    %dma_wait3A_474 = arith.constant 0 : i32
    %dma_wait3A_475 = tpu.memref_slice %arg3[%add3A_415, %dma_wait3A_474] : memref<8192x1024xf32, #tpu.memory_space<hbm>> -> memref<16x1024xf32, #tpu.memory_space<hbm>>
    %dma_wait3A_476 = arith.constant 0 : i32
    %dma_wait3A_477 = tpu.memref_slice %arg3[%add3A_415, %dma_wait3A_476] : memref<8192x1024xf32, #tpu.memory_space<hbm>> -> memref<16x1024xf32, #tpu.memory_space<hbm>>
    tpu.wait_dma2 semaphore(%arg23 : memref<!tpu.dma_semaphore, #tpu.memory_space<semaphore_mem>>) src(%arg7 : memref<16x1024xf32, #tpu.memory_space<vmem>>) dst(%dma_wait3A_477 : memref<16x1024xf32, #tpu.memory_space<hbm>>)
    %dma_wait3A_478 = arith.constant 0 : i32
    %dma_wait3A_479 = tpu.memref_slice %arg3[%add3A_432, %dma_wait3A_478] : memref<8192x1024xf32, #tpu.memory_space<hbm>> -> memref<8x1024xf32, #tpu.memory_space<hbm>>
    %dma_wait3A_480 = arith.constant 0 : i32
    %dma_wait3A_481 = tpu.memref_slice %arg3[%add3A_432, %dma_wait3A_480] : memref<8192x1024xf32, #tpu.memory_space<hbm>> -> memref<8x1024xf32, #tpu.memory_space<hbm>>
    tpu.wait_dma2 semaphore(%arg20 : memref<!tpu.dma_semaphore, #tpu.memory_space<semaphore_mem>>) src(%arg4 : memref<8x1024xf32, #tpu.memory_space<vmem>>) dst(%dma_wait3A_481 : memref<8x1024xf32, #tpu.memory_space<hbm>>)
    %dma_wait3A_482 = arith.constant 0 : i32
    %dma_wait3A_483 = tpu.memref_slice %arg3[%add3A_449, %dma_wait3A_482] : memref<8192x1024xf32, #tpu.memory_space<hbm>> -> memref<8x1024xf32, #tpu.memory_space<hbm>>
    %dma_wait3A_484 = arith.constant 0 : i32
    %dma_wait3A_485 = tpu.memref_slice %arg3[%add3A_449, %dma_wait3A_484] : memref<8192x1024xf32, #tpu.memory_space<hbm>> -> memref<8x1024xf32, #tpu.memory_space<hbm>>
    tpu.wait_dma2 semaphore(%arg21 : memref<!tpu.dma_semaphore, #tpu.memory_space<semaphore_mem>>) src(%arg5 : memref<8x1024xf32, #tpu.memory_space<vmem>>) dst(%dma_wait3A_485 : memref<8x1024xf32, #tpu.memory_space<hbm>>)
    return
  }
}

</mosaic_0001>

<sc_bundles>
// kernel: kernel.3.cloned.1.call-start
scs
__scs_entry_jumppad:
0x0: {  	(pc) =	sbr.rel $0x88, $3  }
0x1: {  	(tag) =	ssettag $0x0;
	lr =	simm.s32 $0x1  }
0x2: {  	[smem:$0x3FA0] =	sst lr;
	_ =	strace $0xD0000000  }
0x3: {  	_ = 	snop  }
0x4: {  	_ = 	snop  }
0x5: {  	_ = 	snop  }
0x6: {  	_ = 	snop  }
0x7: {  	_ = 	snop  }
__scs_overlays_trampoline_lowered:
0x8: {  	[smem:$0x3FAF] =	sst s0  }
0x9: {  	[smem:$0x3FB0] =	sst s1  }
0xa: {  	[smem:$0x3FB1] =	sst s2  }
0xb: {  	[smem:$0x3FB2] =	sst s3  }
0xc: {  	[smem:$0x3FB3] =	sst s4  }
0xd: {  	[smem:$0x3FB4] =	sst s5  }
0xe: {  	[smem:$0x3FB5] =	sst s6  }
0xf: {  	[smem:$0x3FB6] =	sst s7  }
0x10: {  	[smem:$0x3FB7] =	sst s8  }
0x11: {  	[smem:$0x3FB8] =	sst s9;
	s0 =	simm.s32 @!p0 $0x0  }
0x12: {  	s1 =	sld [smem:$0x3F9E];
	s0 =	simm.s32 @p0 $0x1  }
0x13: {  	[smem:$0x3FB9] =	sst s0;
	s0 =	simm.s32 @!p1 $0x0  }
0x14: {  	s2 =	sld [smem:$0x3F9D];
	s0 =	simm.s32 @p1 $0x1  }
0x15: {  	[smem:$0x3FBA] =	sst s0;
	s0 =	simm.s32 @!p2 $0x0  }
0x16: {  	s3 =	sld [smem:$0x3FDB];
	s0 =	simm.s32 @p2 $0x1  }
0x17: {  	s4 =	simm.s32 $0x1BF5;
	[smem:$0x3FBC] =	sst s0  }
0x18: {  	s0 =	sld [smem:$0x3F9F];
	_ =	swait.ge [sflag:s4], $0x0  }
0x19: {  	s7 =	sld [smem:$0x3FA0]  }
0x1a: {  	s8 =	sadd.s32 $0xFFFFE003, lr  }
0x1b: {  	s9 =	sadd.s32 $0xFFFFFEF7, lr;
	s5 =	simm.s32 $0xFFFFFFFF;
	p2 =	slt.u32 s8, $0xFFFFF086  }
0x1c: {  	p1 =	slt.u32 s9, $0xF7A;
	s5 =	simm.s32 @!p2 $0x0  }
0x1d: {  	s5 =	simm.s32 @p1 $0x1;
	p0 =	seq.s32 s7, s2  }
0x1e: {  	s7 =	smul.u32 @!p0 $0xF7A, s2;
	p2 =	seq.s32 @!p0 s5, $0x0  }
0x1f: {  	s9 =	smul.u32 $0xF7A, s1;
	s8 =	simm.s32 @!p0 $0x1BF5;
	p2 =	por !p2, p0  }
0x20: {  	[sflag:s8] =	ssyncset.s32 @!p0 $0xFFFFF086;
	s6 =	sadd.s32 @!p0 s3, s7;
	s7 =	simm.s32 @!p0 $0x108  }
0x21: {  	s3 =	sadd.s32 s3, s9;
	s6 =	sadd.s32 @!p0 $0x88, s6;
	s7 =	simm.s32 @p2 $0x1082  }
0x22: {  	[simem:s7], [sflag:s8] =	dma.local @!p0 [hbm:s6], $0xF7A  }
0x23: {  	s9 =	sor.u32 $0xD0000000, s2;
	s6 =	simm.s32 $0x108;
	_ =	swait.ge @!p0 [sflag:s8], $0x0  }
0x24: {  	s3 =	sadd.s32 $0x88, s3;
	s6 =	simm.s32 @!p1 $0x1082;
	[sflag:s4] =	ssyncset.s32 $0xFFFFF086  }
0x25: {  	[simem:s6], [sflag:s4] =	dma.local [hbm:s3], $0xF7A  }
0x26: {  	[smem:$0x3FA0] =	sst s1;
	(tag) =	ssettag s2;
	_ =	strace s9  }
0x27: {  	s1 =	sld [smem:$0x3FB0]  }
0x28: {  	s2 =	sld [smem:$0x3FB1]  }
0x29: {  	s4 =	sld [smem:$0x3FB3]  }
0x2a: {  	p0 =	seq.s32 s5, $0x0;
	s5 =	sld [smem:$0x3FB4]  }
0x2b: {  	s6 =	sld [smem:$0x3FB5]  }
0x2c: {  	s7 =	sld [smem:$0x3FB6]  }
0x2d: {  	s3 =	simm.s32 $0x108;
	s8 =	sld [smem:$0x3FB7]  }
0x2e: {  	s3 =	simm.s32 @!p0 $0x1082;
	s9 =	sld [smem:$0x3FB8]  }
0x2f: {  	lr =	sadd.s32 s0, s3;
	s0 =	sld [smem:$0x3FAF]  }
0x30: {  	s3 =	sld [smem:$0x3FB2]  }
0x31: {  	[smem:$0x3FBB] =	sst s10  }
0x32: {  	s10 =	sld [smem:$0x3FB9];
	_ =	sdelay $0x3  }
0x33: {  	p0 =	seq.s32 s10, $0x1;
	s10 =	sld [smem:$0x3FBB];
	_ =	sdelay $0x3  }
0x34: {  	[smem:$0x3FBB] =	sst s10  }
0x35: {  	s10 =	sld [smem:$0x3FBA];
	_ =	sdelay $0x3  }
0x36: {  	p1 =	seq.s32 s10, $0x1;
	s10 =	sld [smem:$0x3FBB];
	_ =	sdelay $0x3  }
0x37: {  	[smem:$0x3FBB] =	sst s10  }
0x38: {  	s10 =	sld [smem:$0x3FBC]  }
0x39: {  	_ = 	snop;
	(pc) =	sbr.ind lr, $3  }
0x3a: {  	_ = 	snop  }
0x3b: {  	_ = 	snop  }
0x3c: {  	p2 =	seq.s32 s10, $0x1;
	s10 =	sld [smem:$0x3FBB]  }
0x3d: {  	_ =	shalt  }
0x3e: {  	_ =	shalt  }
0x3f: {  	_ =	shalt  }
0x40: {  	_ =	shalt  }
0x41: {  	_ =	shalt  }
0x42: {  	_ =	shalt  }
0x43: {  	_ =	shalt  }
0x44: {  	_ =	shalt  }
0x45: {  	_ =	shalt  }
0x46: {  	_ =	shalt  }
0x47: {  	_ =	shalt  }
0x48: {  	_ =	shalt  }
0x49: {  	_ =	shalt  }
0x4a: {  	_ =	shalt  }
0x4b: {  	_ =	shalt  }
0x4c: {  	_ =	shalt  }
0x4d: {  	_ =	shalt  }
0x4e: {  	_ =	shalt  }
0x4f: {  	_ =	shalt  }
0x50: {  	_ =	shalt  }
0x51: {  	_ =	shalt  }
0x52: {  	_ =	shalt  }
0x53: {  	_ =	shalt  }
0x54: {  	_ =	shalt  }
0x55: {  	_ =	shalt  }
0x56: {  	_ =	shalt  }
0x57: {  	_ =	shalt  }
0x58: {  	_ =	shalt  }
0x59: {  	_ =	shalt  }
0x5a: {  	_ =	shalt  }
0x5b: {  	_ =	shalt  }
0x5c: {  	_ =	shalt  }
0x5d: {  	_ =	shalt  }
0x5e: {  	_ =	shalt  }
0x5f: {  	_ =	shalt  }
0x60: {  	_ =	shalt  }
0x61: {  	_ =	shalt  }
0x62: {  	_ =	shalt  }
0x63: {  	_ =	shalt  }
0x64: {  	_ =	shalt  }
0x65: {  	_ =	shalt  }
0x66: {  	_ =	shalt  }
0x67: {  	_ =	shalt  }
0x68: {  	_ =	shalt  }
0x69: {  	_ =	shalt  }
0x6a: {  	_ =	shalt  }
0x6b: {  	_ =	shalt  }
0x6c: {  	_ =	shalt  }
0x6d: {  	_ =	shalt  }
0x6e: {  	_ =	shalt  }
0x6f: {  	_ =	shalt  }
0x70: {  	_ =	shalt  }
0x71: {  	_ =	shalt  }
0x72: {  	_ =	shalt  }
0x73: {  	_ =	shalt  }
0x74: {  	_ =	shalt  }
0x75: {  	_ =	shalt  }
0x76: {  	_ =	shalt  }
0x77: {  	_ =	shalt  }
0x78: {  	_ =	shalt  }
0x79: {  	_ =	shalt  }
0x7a: {  	_ =	shalt  }
0x7b: {  	_ =	shalt  }
0x7c: {  	_ =	shalt  }
0x7d: {  	_ =	shalt  }
0x7e: {  	_ =	shalt  }
0x7f: {  	_ =	shalt  }
0x80: {  	_ =	shalt  }
0x81: {  	_ =	shalt  }
0x82: {  	_ =	shalt  }
0x83: {  	_ =	shalt  }
0x84: {  	_ =	shalt  }
0x85: {  	_ =	shalt  }
0x86: {  	_ =	shalt  }
0x87: {  	_ =	shalt  }
.Lfunc_end0:
.L_simem_size_0:
called_computation_lowered:
.L_overlay_start_0:
0x88: {  	s2 =	sld [smem:$0x3FD9]  }
0x89: {  	s3 =	sld [smem:$0x3FFE];
	_ =	sdelay $0x1  }
0x8a: {  	s1 =	srdreg.scid  }
0x8b: {  	s0 =	sand.u32 $0x1, s1  }
0x8c: {  	s18 =	sshll.u32 s0, $0xA;
	s2 =	sadd.s32 s3, s2  }
0x8d: {  	s2 =	sadd.s32 s2, s18  }
0x8e: {  	[smem:$0x3FC7] =	sst s2  }
0x8f: {  	_ = 	snop  }
0x90: {  	s2 =	sld [smem:$0x3FC9]  }
0x91: {  	s19 =	sld [smem:$0x3FD0];
	(tm) =	ssettm $0x1  }
0x92: {  	s4 =	sld [smem:$0x3FFB];
	_ =	sdelay $0x3  }
0x93: {  	_ =	strace s4  }
0x94: {  	s4 =	sld [smem:$0x3FFC];
	_ =	sdelay $0x3  }
0x95: {  	_ =	strace s4  }
0x96: {  	s4 =	sld [smem:$0x3FFD];
	_ =	sdelay $0x3  }
0x97: {  	_ =	strace s4  }
0x98: {  	_ =	strace $0x8FFFFFFF  }
0x99: {  	s20 =	sld [smem:$0x3FDB];
	_ =	sdelay $0x1  }
0x9a: {  	s5 =	simm.s32 $_scs_section_size  }
0x9b: {  	s6 =	simm.s32 $_size__tile_overlayer_lowered;
	s7 =	simm.s32 $_tile_overlayer_lowered  }
0x9c: {  	s23 =	simm.s32 $0x1BFF;
	s22 =	sshll.u32 s7, $0x1;
	s4 =	sadd.s32 s5, s20  }
0x9d: {  	s8 =	simm.s32 $0x0;
	s21 =	sshll.u32 s6, $0x1;
	s6 =	sadd.s32 s22, s4  }
0x9e: {  	[timem:s8], [sflag:s23] =	dma.local [hbm:s6], s21  }
0x9f: {  	_ =	swait.ge [sflag:s23], s21  }
0xa0: {  	s5 =	ssub.s32 $0x0, s21;
	[sflag:s23] =	ssyncset.done $0x0  }
0xa1: {  	[sflag:s23] =	ssyncadd.s32 s5;
	_ =	sdelay $0x1  }
0xa2: {  	s24 =	simm.s32 $0x1B8B  }
0xa3: {  	_ =	swait.ge [sflag:s24], $0x1  }
0xa4: {  	[sflag:s24] =	ssyncset.done $0x0  }
0xa5: {  	s25 =	simm.s32 $0x1B8E;
	[sflag:s24] =	ssyncadd.s32 $0xFFFFFFFF  }
0xa6: {  	s26 =	simm.s32 $execute0_lowered;
	[smem:$0x3FD2] =	sst s25  }
0xa7: {  	s5 =	sshll.u32 s26, $0x1;
	_ =	strace $0x80000046;
	[dreg:$0x1] =	wrdreg $0xFFFFFFFF  }
0xa8: {  	s28 =	simm.s32 $_size_execute0_lowered;
	s4 =	sadd.s32 s4, s5;
	[dreg:$0x0] =	wrdreg $0x0  }
0xa9: {  	s5 =	sshll.u32 s28, $0x1;
	[dreg:$0x2] =	wrdreg s4  }
0xaa: {  	[dreg:$0x3] =	wrdreg s5  }
0xab: {  	[dreg:$0x4] =	wrdreg $0xC0  }
0xac: {  	_ =	task [dreg:s8], $0x5FFFF  }
0xad: {  	[dreg:$0x1] =	wrdreg $0xFFFFFFFF  }
0xae: {  	[dreg:$0x0] =	wrdreg $0x60  }
0xaf: {  	[dreg:$0x2] =	wrdreg s2  }
0xb0: {  	[dreg:$0x3] =	wrdreg s19  }
0xb1: {  	[dreg:$0x4] =	wrdreg $0x9  }
0xb2: {  	_ =	task.clear_ibuf [dreg:s8], $0x5FFFF;
	_ =	strace $0x90000046  }
0xb3: {  	s29 =	simm.s32 $0x9;
	_ =	strace $0x80000048  }
0xb4: {  	_ =	swait.ge [sflag:s29], $0x1  }
0xb5: {  	[sflag:s29] =	ssyncadd.s32 $0xFFFFFFFF  }
0xb6: {  	_ =	strace $0x90000048  }
0xb7: {  	_ =	sfence  }
0xb8: {  	s30 =	sld [smem:$0x0];
	_ =	sdelay $0x2  }
0xb9: {  	s31 =	sshll.u32 s1, $0xD;
	s1 =	sshrl.u32 s1, $0x2  }
0xba: {  	s3 =	sand.u32 $0x4000, s31;
	s1 =	sadd.s32 s1, s30  }
0xbb: {  	s0 =	sor.u32 s3, s0;
	s1 =	sshll.u32 s1, $0x11  }
0xbc: {  	s0 =	sor.u32 s1, s0  }
0xbd: {  	s0 =	sadd.s32 $0x8F2B, s0  }
0xbe: {  	[sflag:s0] =	ssyncadd.remote.s32 $0x1  }
0xbf: {  	_ =	sfence.sel $0xFFFF  }
0xc0: {  	[dreg:$0x0] =	wrdreg $0xFFFFFFFF;
	(pc) =	sbr.abs _section_cstart, $3  }
0xc1: {  	[dreg:$0x1] =	wrdreg $0xFFFFFFFF  }
0xc2: {  	_ =	task.clear_ibuf [dreg:s8], $0x2FFFF;
	_ =	strace $0x9FFFFFFF  }
0xc3: {  	(tm) =	ssettm $0x7FFFFFFF  }
tec
execute0_lowered:
.L_overlay_start_1:
0x0: {  	(tag) =	ssettag $0x1  }
0x1: {  	s3 =	srdreg.scid  }
0x2: {  	s5 =	stileid.u32;
	s3 =	sand.u32 $0x1, s3  }
0x3: {  	s5 =	sshll.u32 s5, $0xF;
	s4 =	ssub.s32 $0x2, s3;
	s3 =	sshll.u32 s3, $0x13  }
0x4: {  	s2 =	rddreg [dreg:$0x0];
	s3 =	sor.u32 s5, s3  }
0x5: {  	s0 =	rddreg [dreg:$0x1];
	s1 =	simm.s32 $0x0;
	s5 =	sor.u32 $0x400, s3  }
0x6: {  	[smem:$0x7FF] =	sst s1;
	s26 =	sor.u32 $0x800, s3;
	s7 =	sadd.s32 s2, s5  }
0x7: {  	s12 =	sor.u32 $0x1000, s3;
	s11 =	sadd.s32 s2, s26;
	[dreg:$0x3] =	wrdreg s7  }
0x8: {  	s13 =	sor.u32 $0x1800, s3;
	s8 =	sadd.s32 s2, s12;
	[dreg:$0x4] =	wrdreg s11  }
0x9: {  	s9 =	sor.u32 $0x2000, s3;
	s10 =	sadd.s32 s2, s13;
	[dreg:$0x5] =	wrdreg s8  }
0xa: {  	s6 =	sshrl.u32 s4, $0x1;
	s14 =	sadd.s32 s2, s9;
	[dreg:$0x6] =	wrdreg s10  }
0xb: {  	s16 =	sor.u32 $0x3000, s3;
	s5 =	sadd.s32 s0, s5;
	[dreg:$0x7] =	wrdreg s14  }
0xc: {  	s4 =	ssub.s32 s4, s6;
	s17 =	sadd.s32 s2, s16;
	[dreg:$0x9] =	wrdreg s5  }
0xd: {  	s18 =	sor.u32 $0x3800, s3;
	s6 =	sadd.s32 s0, s26;
	[dreg:$0xa] =	wrdreg s17  }
0xe: {  	s20 =	sor.u32 $0x4000, s3;
	s19 =	sadd.s32 s2, s18;
	[dreg:$0xb] =	wrdreg s6  }
0xf: {  	s21 =	sadd.s32 s2, s20;
	[dreg:$0xc] =	wrdreg s19  }
0x10: {  	s9 =	sadd.s32 s0, s9;
	[dreg:$0xe] =	wrdreg s21  }
0x11: {  	s28 =	simm.s32 $0xF;
	s24 =	sadd.s32 s0, s18;
	[dreg:$0x10] =	wrdreg s9  }
0x12: {  	s22 =	sor.u32 $0x4800, s3;
	s25 =	sadd.s32 s0, s20;
	[dreg:$0x13] =	wrdreg s24  }
0x13: {  	s15 =	sor.u32 $0x2800, s3;
	s26 =	sadd.s32 s2, s22;
	[dreg:$0x14] =	wrdreg s25  }
0x14: {  	s29 =	simm.s32 $0x8;
	s11 =	sadd.s32 s2, s15;
	[dreg:$0x15] =	wrdreg s26  }
0x15: {  	s30 =	simm.s32 $0x10;
	s7 =	sadd.s32 s0, s12;
	[dreg:$0x8] =	wrdreg s11  }
0x16: {  	s31 =	simm.s32 $0x9;
	s8 =	sadd.s32 s0, s13;
	[dreg:$0xd] =	wrdreg s7  }
0x17: {  	s23 =	sor.u32 $0x5000, s3;
	s10 =	sadd.s32 s0, s15;
	[dreg:$0xf] =	wrdreg s8  }
0x18: {  	s5 =	sadd.s32 s0, s16;
	s6 =	sadd.s32 s0, s22;
	[dreg:$0x11] =	wrdreg s10  }
0x19: {  	s9 =	sadd.s32 s2, s3;
	s12 =	sor.u32 $0x6000, s3;
	[dreg:$0x12] =	wrdreg s5  }
0x1a: {  	s13 =	sor.u32 $0x6800, s3;
	s14 =	sor.u32 $0x7000, s3;
	[dreg:$0x16] =	wrdreg s6  }
0x1b: {  	s15 =	sor.u32 $0x7800, s3;
	s7 =	sadd.s32 s2, s23;
	[dreg:$0x19] =	wrdreg s9  }
0x1c: {  	s26 =	smax.u32 s4, $0x1;
	s8 =	sadd.s32 s0, s23;
	[dreg:$0x17] =	wrdreg s7  }
0x1d: {  	s10 =	sadd.s32 s0, s3;
	s11 =	sor.u32 $0x5800, s3;
	[dreg:$0x18] =	wrdreg s8  }
0x1e: {  	s3 =	sor.u32 $0x7C00, s3;
	s17 =	sadd.s32 s2, s12;
	[dreg:$0x1a] =	wrdreg s10  }
0x1f: {  	s18 =	sadd.s32 s2, s13;
	s19 =	sadd.s32 s2, s14;
	[dreg:$0x1c] =	wrdreg s17  }
0x20: {  	s20 =	sadd.s32 s2, s15;
	s22 =	sadd.s32 s0, s12;
	[dreg:$0x1d] =	wrdreg s18  }
0x21: {  	s23 =	sadd.s32 s0, s13;
	s24 =	sadd.s32 s0, s14;
	[dreg:$0x1e] =	wrdreg s19  }
0x22: {  	s25 =	sadd.s32 s0, s15;
	s9 =	simm.s32 $0x2000;
	[dreg:$0x1f] =	wrdreg s20  }
0x23: {  	s12 =	simm.s32 $0xC000;
	s13 =	simm.s32 $0x10000;
	[smem:$0x7F8] =	sst s22  }
0x24: {  	s14 =	simm.s32 $0x1;
	s15 =	simm.s32 $0x14000;
	[smem:$0x7F9] =	sst s23  }
0x25: {  	s16 =	sadd.s32 s2, s11;
	s2 =	sadd.s32 s2, s3;
	[smem:$0x7FA] =	sst s24  }
0x26: {  	s21 =	sadd.s32 s0, s11;
	[smem:$0x7FB] =	sst s25;
	s0 =	sadd.s32 s0, s3  }
0x27: {  	s10 =	simm.s32 $0x4000;
	s11 =	simm.s32 $0x8000;
	s17 =	simm.s32 $0x18000  }
0x28: {  	s18 =	simm.s32 $0x3;
	s19 =	simm.s32 $0xB;
	[dreg:$0x1b] =	wrdreg s16  }
0x29: {  	s20 =	simm.s32 $0x4;
	s22 =	simm.s32 $0x5;
	[smem:$0x7F6] =	sst s2  }
0x2a: {  	s23 =	simm.s32 $0xD;
	s24 =	simm.s32 $0x6;
	[smem:$0x7F7] =	sst s21  }
0x2b: {  	s25 =	simm.s32 $0xE;
	[smem:$0x7FC] =	sst s0;
	s16 =	simm.s32 $0x2  }
0x2c: {  	s21 =	simm.s32 $0xC;
	s0 =	simm.s32 $0xA;
	s2 =	simm.s32 $0x0  }
0x2d: {  	_ =	strace $0x80000047;
	[smem:$0x7FD] =	sst s26;
	s26 =	simm.s32 $0x7  }
.LBB2_1:
0x2e: {  	s3 =	rddreg [dreg:$0x19]  }
0x2f: {  	[tilespmem:s1], [sflag:$0x1] =	stream.linear.gather [hbm4b:s3+s1], $0x2000, $0x38;
	[tilespmem:$0x1C000] =	vst v63  }
0x30: {  	s4 =	rddreg [dreg:$0x3]  }
0x31: {  	[tilespmem:s9], [sflag:$0x2] =	stream.linear.gather [hbm4b:s4+s1], $0x2000, $0x38;
	[tilespmem:$0x1C000] =	vst v63  }
0x32: {  	s5 =	rddreg [dreg:$0x4]  }
0x33: {  	[tilespmem:s10], [sflag:$0x3] =	stream.linear.gather [hbm4b:s5+s1], $0x4000, $0x38;
	[tilespmem:$0x1C000] =	vst v63  }
0x34: {  	s6 =	rddreg [dreg:$0x5]  }
0x35: {  	[tilespmem:s11], [sflag:$0x4] =	stream.linear.gather [hbm4b:s6+s1], $0x4000, $0x38;
	[tilespmem:$0x1C000] =	vst v63  }
0x36: {  	s7 =	rddreg [dreg:$0x6]  }
0x37: {  	[tilespmem:s12], [sflag:$0x5] =	stream.linear.gather [hbm4b:s7+s1], $0x4000, $0x38;
	[tilespmem:$0x1C000] =	vst v63  }
0x38: {  	s8 =	rddreg [dreg:$0x7]  }
0x39: {  	[tilespmem:s13], [sflag:$0x6] =	stream.linear.gather [hbm4b:s8+s1], $0x4000, $0x38;
	[tilespmem:$0x1C000] =	vst v63  }
0x3a: {  	_ =	swait.ge [sflag:s14], $0x2000  }
0x3b: {  	[sflag:s14] =	ssyncset.done $0x0  }
0x3c: {  	s3 =	simm.s32 $0x40;
	s4 =	simm.s32 $0x0;
	[sflag:s14] =	ssyncadd.s32 $0xFFFFE000  }
.LBB2_2:
0x3d: {  	v2 =	vld [tilespmem:s3+$0x30]  }
0x3e: {  	v4 =	vld [tilespmem:s3+$0xFFFFFFD0]  }
0x3f: {  	v6 =	vld [tilespmem:s3+$0xFFFFFFE0]  }
0x40: {  	v3 =	vld [tilespmem:s3+$0xFFFFFFF0]  }
0x41: {  	v1 =	vld [tilespmem:s3+$0x0]  }
0x42: {  	v0 =	vld [tilespmem:s3+$0x10];
	v7 =	vmul.f32 $3.125000000e-02, v2  }
0x43: {  	v2 =	vld [tilespmem:s3+$0x20];
	v5 =	vmul.f32 $3.125000000e-02, v4  }
0x44: {  	s6 =	simm.s32 $0x0;
	s7 =	sadd.s32 $0x400, s3;
	s5 =	smov.u32 s3;
	v4 =	vld [tilespmem:s3+$0xFFFFFFC0];
	v6 =	vmul.f32 $3.125000000e-02, v6;
	[tilespmem:s3+$0x30] =	vst v7  }
.LBB2_3:
0x45: {  	v7 =	vld [tilespmem:s7+$0x30];
	s6 =	sadd.s32 $0x80, s6;
	[tilespmem:s5+$0xFFFFFFD0] =	vst v5;
	v3 =	vmul.f32 $3.125000000e-02, v3  }
0x46: {  	v5 =	vld [tilespmem:s7+$0xFFFFFFD0];
	p0 =	slt.u32 s6, $0x380;
	[tilespmem:s5+$0xFFFFFFE0] =	vst v6;
	v1 =	vmul.f32 $3.125000000e-02, v1  }
0x47: {  	v6 =	vld [tilespmem:s7+$0xFFFFFFE0];
	[tilespmem:s5+$0xFFFFFFF0] =	vst v3;
	v0 =	vmul.f32 $3.125000000e-02, v0  }
.Ltmp0:
0x48: {  	v3 =	vld [tilespmem:s7+$0xFFFFFFF0];
	[tilespmem:s5+$0x0] =	vst v1;
	v2 =	vmul.f32 $3.125000000e-02, v2;
	(pc) =	sbr.rel @p0 .LBB2_3-.Ltmp0, $4  }
0x49: {  	v1 =	vld [tilespmem:s7+$0x0];
	v4 =	vmul.f32 $3.125000000e-02, v4;
	[tilespmem:s5+$0x10] =	vst v0  }
0x4a: {  	v0 =	vld [tilespmem:s7+$0x10];
	v7 =	vmul.f32 $3.125000000e-02, v7;
	[tilespmem:s5+$0x20] =	vst v2  }
0x4b: {  	v5 =	vmul.f32 $3.125000000e-02, v5;
	v2 =	vld [tilespmem:s7+$0x20];
	[tilespmem:s5+$0xFFFFFFC0] =	vst v4;
	s5 =	smov.u32 s7  }
0x4c: {  	s7 =	sadd.s32 $0x400, s7;
	v4 =	vld [tilespmem:s5+$0xFFFFFFC0];
	v6 =	vmul.f32 $3.125000000e-02, v6;
	[tilespmem:s5+$0x30] =	vst v7  }
0x4d: {  	[tilespmem:s5+$0xFFFFFFD0] =	vst v5;
	v3 =	vmul.f32 $3.125000000e-02, v3;
	s4 =	sadd.s32 $0x1, s4  }
0x4e: {  	[tilespmem:s5+$0xFFFFFFE0] =	vst v6;
	v1 =	vmul.f32 $3.125000000e-02, v1;
	p0 =	sne.s32 s4, $0x8  }
.Ltmp1:
0x4f: {  	[tilespmem:s5+$0xFFFFFFF0] =	vst v3;
	v0 =	vmul.f32 $3.125000000e-02, v0;
	(pc) =	sbr.rel @p0 .LBB2_2-.Ltmp1, $4  }
0x50: {  	[tilespmem:s5+$0x0] =	vst v1;
	v62 =	vmul.f32 $3.125000000e-02, v2  }
0x51: {  	v63 =	vmul.f32 $3.125000000e-02, v4;
	[tilespmem:s5+$0x10] =	vst v0  }
0x52: {  	[tilespmem:s5+$0x20] =	vst v62  }
0x53: {  	s3 =	sadd.s32 $0x80, s3;
	[tilespmem:s5+$0xFFFFFFC0] =	vst v63  }
0x54: {  	s3 =	simm.s32 $0x0;
	s4 =	rddreg [dreg:$0x1a]  }
0x55: {  	[hbm4b:s4+s3] =	stream.linear.scatter [tilespmem:s3], [sflag:$0x9], $0x2000, $0x38;
	[tilespmem:$0x1C000] =	vst v63  }
0x56: {  	s8 =	rddreg [dreg:$0x8]  }
0x57: {  	[tilespmem:s15], [sflag:$0x7] =	stream.linear.gather [hbm4b:s8+s3], $0x4000, $0x38;
	[tilespmem:$0x1C000] =	vst v63  }
0x58: {  	_ =	swait.ge [sflag:s16], $0x2000  }
0x59: {  	[sflag:s16] =	ssyncset.done $0x0  }
0x5a: {  	s4 =	simm.s32 $0x2040;
	[sflag:s16] =	ssyncadd.s32 $0xFFFFE000  }
.LBB2_6:
0x5b: {  	v2 =	vld [tilespmem:s4+$0x30]  }
0x5c: {  	v4 =	vld [tilespmem:s4+$0xFFFFFFD0]  }
0x5d: {  	v6 =	vld [tilespmem:s4+$0xFFFFFFE0]  }
0x5e: {  	v3 =	vld [tilespmem:s4+$0xFFFFFFF0]  }
0x5f: {  	v1 =	vld [tilespmem:s4+$0x0]  }
0x60: {  	v0 =	vld [tilespmem:s4+$0x10];
	v7 =	vmul.f32 $3.125000000e-02, v2  }
0x61: {  	v2 =	vld [tilespmem:s4+$0x20];
	v5 =	vmul.f32 $3.125000000e-02, v4  }
0x62: {  	s6 =	simm.s32 $0x0;
	s7 =	sadd.s32 $0x400, s4;
	s5 =	smov.u32 s4;
	v4 =	vld [tilespmem:s4+$0xFFFFFFC0];
	v6 =	vmul.f32 $3.125000000e-02, v6;
	[tilespmem:s4+$0x30] =	vst v7  }
.LBB2_7:
0x63: {  	v7 =	vld [tilespmem:s7+$0x30];
	s6 =	sadd.s32 $0x80, s6;
	[tilespmem:s5+$0xFFFFFFD0] =	vst v5;
	v3 =	vmul.f32 $3.125000000e-02, v3  }
0x64: {  	v5 =	vld [tilespmem:s7+$0xFFFFFFD0];
	p0 =	slt.u32 s6, $0x380;
	[tilespmem:s5+$0xFFFFFFE0] =	vst v6;
	v1 =	vmul.f32 $3.125000000e-02, v1  }
0x65: {  	v6 =	vld [tilespmem:s7+$0xFFFFFFE0];
	[tilespmem:s5+$0xFFFFFFF0] =	vst v3;
	v0 =	vmul.f32 $3.125000000e-02, v0  }
.Ltmp2:
0x66: {  	v3 =	vld [tilespmem:s7+$0xFFFFFFF0];
	[tilespmem:s5+$0x0] =	vst v1;
	v2 =	vmul.f32 $3.125000000e-02, v2;
	(pc) =	sbr.rel @p0 .LBB2_7-.Ltmp2, $4  }
0x67: {  	v1 =	vld [tilespmem:s7+$0x0];
	v4 =	vmul.f32 $3.125000000e-02, v4;
	[tilespmem:s5+$0x10] =	vst v0  }
0x68: {  	v0 =	vld [tilespmem:s7+$0x10];
	v7 =	vmul.f32 $3.125000000e-02, v7;
	[tilespmem:s5+$0x20] =	vst v2  }
0x69: {  	v5 =	vmul.f32 $3.125000000e-02, v5;
	v2 =	vld [tilespmem:s7+$0x20];
	[tilespmem:s5+$0xFFFFFFC0] =	vst v4;
	s5 =	smov.u32 s7  }
0x6a: {  	s7 =	sadd.s32 $0x400, s7;
	v4 =	vld [tilespmem:s5+$0xFFFFFFC0];
	v6 =	vmul.f32 $3.125000000e-02, v6;
	[tilespmem:s5+$0x30] =	vst v7  }
0x6b: {  	[tilespmem:s5+$0xFFFFFFD0] =	vst v5;
	v3 =	vmul.f32 $3.125000000e-02, v3;
	s3 =	sadd.s32 $0x1, s3  }
0x6c: {  	[tilespmem:s5+$0xFFFFFFE0] =	vst v6;
	v1 =	vmul.f32 $3.125000000e-02, v1;
	p0 =	sne.s32 s3, $0x8  }
.Ltmp3:
0x6d: {  	[tilespmem:s5+$0xFFFFFFF0] =	vst v3;
	v0 =	vmul.f32 $3.125000000e-02, v0;
	(pc) =	sbr.rel @p0 .LBB2_6-.Ltmp3, $4  }
0x6e: {  	[tilespmem:s5+$0x0] =	vst v1;
	v62 =	vmul.f32 $3.125000000e-02, v2  }
0x6f: {  	v63 =	vmul.f32 $3.125000000e-02, v4;
	[tilespmem:s5+$0x10] =	vst v0  }
0x70: {  	[tilespmem:s5+$0x20] =	vst v62  }
0x71: {  	s4 =	sadd.s32 $0x80, s4;
	[tilespmem:s5+$0xFFFFFFC0] =	vst v63  }
0x72: {  	s3 =	simm.s32 $0x0;
	s4 =	rddreg [dreg:$0x9]  }
0x73: {  	[hbm4b:s4+s3] =	stream.linear.scatter [tilespmem:s9], [sflag:$0xA], $0x2000, $0x38;
	[tilespmem:$0x1C000] =	vst v63  }
0x74: {  	s8 =	rddreg [dreg:$0xa]  }
0x75: {  	[tilespmem:s17], [sflag:$0x8] =	stream.linear.gather [hbm4b:s8+s3], $0x4000, $0x38;
	[tilespmem:$0x1C000] =	vst v63  }
0x76: {  	_ =	swait.ge [sflag:s18], $0x4000  }
0x77: {  	[sflag:s18] =	ssyncset.done $0x0  }
0x78: {  	s5 =	simm.s32 $0x0;
	s4 =	simm.s32 $0x0;
	[sflag:s18] =	ssyncadd.s32 $0xFFFFC000  }
.LBB2_10:
0x79: {  	s6 =	sshll.u32 s4, $0x2;
	s7 =	sand.u32 $0x7, s3  }
0x7a: {  	s6 =	sand.u32 $0xFFFF8000, s6;
	s7 =	sshll.u32 s7, $0x9  }
0x7b: {  	s6 =	sor.u32 s7, s6  }
0x7c: {  	s6 =	sshrl.u32 s6, $0x2  }
0x7d: {  	s6 =	sadd.s32 $0x4040, s6  }
0x7e: {  	v2 =	vld [tilespmem:s6+$0x30]  }
0x7f: {  	v4 =	vld [tilespmem:s6+$0xFFFFFFD0]  }
0x80: {  	v6 =	vld [tilespmem:s6+$0xFFFFFFE0]  }
0x81: {  	v3 =	vld [tilespmem:s6+$0xFFFFFFF0]  }
0x82: {  	v1 =	vld [tilespmem:s6+$0x0]  }
0x83: {  	v0 =	vld [tilespmem:s6+$0x10];
	v7 =	vmul.f32 $3.125000000e-02, v2  }
0x84: {  	v2 =	vld [tilespmem:s6+$0x20];
	v5 =	vmul.f32 $3.125000000e-02, v4  }
0x85: {  	s7 =	simm.s32 $0x0;
	s8 =	sadd.s32 $0x400, s6;
	v4 =	vld [tilespmem:s6+$0xFFFFFFC0];
	v6 =	vmul.f32 $3.125000000e-02, v6;
	[tilespmem:s6+$0x30] =	vst v7  }
.LBB2_11:
0x86: {  	v7 =	vld [tilespmem:s8+$0x30];
	s7 =	sadd.s32 $0x80, s7;
	[tilespmem:s6+$0xFFFFFFD0] =	vst v5;
	v3 =	vmul.f32 $3.125000000e-02, v3  }
0x87: {  	v5 =	vld [tilespmem:s8+$0xFFFFFFD0];
	p0 =	slt.u32 s7, $0x380;
	[tilespmem:s6+$0xFFFFFFE0] =	vst v6;
	v1 =	vmul.f32 $3.125000000e-02, v1  }
0x88: {  	v6 =	vld [tilespmem:s8+$0xFFFFFFE0];
	[tilespmem:s6+$0xFFFFFFF0] =	vst v3;
	v0 =	vmul.f32 $3.125000000e-02, v0  }
.Ltmp4:
0x89: {  	v3 =	vld [tilespmem:s8+$0xFFFFFFF0];
	[tilespmem:s6+$0x0] =	vst v1;
	v2 =	vmul.f32 $3.125000000e-02, v2;
	(pc) =	sbr.rel @p0 .LBB2_11-.Ltmp4, $4  }
0x8a: {  	v1 =	vld [tilespmem:s8+$0x0];
	v4 =	vmul.f32 $3.125000000e-02, v4;
	[tilespmem:s6+$0x10] =	vst v0  }
0x8b: {  	v0 =	vld [tilespmem:s8+$0x10];
	v7 =	vmul.f32 $3.125000000e-02, v7;
	[tilespmem:s6+$0x20] =	vst v2  }
0x8c: {  	v5 =	vmul.f32 $3.125000000e-02, v5;
	v2 =	vld [tilespmem:s8+$0x20];
	[tilespmem:s6+$0xFFFFFFC0] =	vst v4;
	s6 =	smov.u32 s8  }
0x8d: {  	s8 =	sadd.s32 $0x400, s8;
	v4 =	vld [tilespmem:s6+$0xFFFFFFC0];
	v6 =	vmul.f32 $3.125000000e-02, v6;
	[tilespmem:s6+$0x30] =	vst v7  }
0x8e: {  	[tilespmem:s6+$0xFFFFFFD0] =	vst v5;
	v3 =	vmul.f32 $3.125000000e-02, v3;
	s5 =	sadd.s32 $0x1, s5  }
0x8f: {  	[tilespmem:s6+$0xFFFFFFE0] =	vst v6;
	v1 =	vmul.f32 $3.125000000e-02, v1;
	p0 =	sne.s32 s5, $0x10  }
.Ltmp5:
0x90: {  	[tilespmem:s6+$0xFFFFFFF0] =	vst v3;
	v0 =	vmul.f32 $3.125000000e-02, v0;
	(pc) =	sbr.rel @p0 .LBB2_10-.Ltmp5, $4  }
0x91: {  	[tilespmem:s6+$0x0] =	vst v1;
	v62 =	vmul.f32 $3.125000000e-02, v2  }
0x92: {  	v63 =	vmul.f32 $3.125000000e-02, v4;
	[tilespmem:s6+$0x10] =	vst v0  }
0x93: {  	[tilespmem:s6+$0x20] =	vst v62  }
0x94: {  	s4 =	sadd.s32 $0x400, s4;
	s3 =	sadd.s32 $0x1, s3;
	[tilespmem:s6+$0xFFFFFFC0] =	vst v63  }
0x95: {  	s3 =	simm.s32 $0x0;
	s4 =	rddreg [dreg:$0xb]  }
0x96: {  	[hbm4b:s4+s3] =	stream.linear.scatter [tilespmem:s10], [sflag:$0xB], $0x4000, $0x38;
	[tilespmem:$0x1C000] =	vst v63  }
0x97: {  	_ =	swait.ge [sflag:s19], $0x4000  }
0x98: {  	[sflag:s19] =	ssyncset.done $0x0  }
0x99: {  	s8 =	rddreg [dreg:$0xc];
	[sflag:s19] =	ssyncadd.s32 $0xFFFFC000  }
0x9a: {  	[tilespmem:s10], [sflag:$0x3] =	stream.linear.gather [hbm4b:s8+s3], $0x4000, $0x38;
	[tilespmem:$0x1C000] =	vst v63  }
0x9b: {  	_ =	swait.ge [sflag:s20], $0x4000  }
0x9c: {  	[sflag:s20] =	ssyncset.done $0x0  }
0x9d: {  	s5 =	simm.s32 $0x0;
	s4 =	simm.s32 $0x0;
	[sflag:s20] =	ssyncadd.s32 $0xFFFFC000  }
.LBB2_14:
0x9e: {  	s6 =	sshll.u32 s4, $0x2;
	s7 =	sand.u32 $0x7, s3  }
0x9f: {  	s6 =	sand.u32 $0xFFFF8000, s6;
	s7 =	sshll.u32 s7, $0x9  }
0xa0: {  	s6 =	sor.u32 s7, s6  }
0xa1: {  	s6 =	sshrl.u32 s6, $0x2  }
0xa2: {  	s6 =	sadd.s32 $0x8040, s6  }
0xa3: {  	v2 =	vld [tilespmem:s6+$0x30]  }
0xa4: {  	v4 =	vld [tilespmem:s6+$0xFFFFFFD0]  }
0xa5: {  	v6 =	vld [tilespmem:s6+$0xFFFFFFE0]  }
0xa6: {  	v3 =	vld [tilespmem:s6+$0xFFFFFFF0]  }
0xa7: {  	v1 =	vld [tilespmem:s6+$0x0]  }
0xa8: {  	v0 =	vld [tilespmem:s6+$0x10];
	v7 =	vmul.f32 $3.125000000e-02, v2  }
0xa9: {  	v2 =	vld [tilespmem:s6+$0x20];
	v5 =	vmul.f32 $3.125000000e-02, v4  }
0xaa: {  	s7 =	simm.s32 $0x0;
	s8 =	sadd.s32 $0x400, s6;
	v4 =	vld [tilespmem:s6+$0xFFFFFFC0];
	v6 =	vmul.f32 $3.125000000e-02, v6;
	[tilespmem:s6+$0x30] =	vst v7  }
.LBB2_15:
0xab: {  	v7 =	vld [tilespmem:s8+$0x30];
	s7 =	sadd.s32 $0x80, s7;
	[tilespmem:s6+$0xFFFFFFD0] =	vst v5;
	v3 =	vmul.f32 $3.125000000e-02, v3  }
0xac: {  	v5 =	vld [tilespmem:s8+$0xFFFFFFD0];
	p0 =	slt.u32 s7, $0x380;
	[tilespmem:s6+$0xFFFFFFE0] =	vst v6;
	v1 =	vmul.f32 $3.125000000e-02, v1  }
0xad: {  	v6 =	vld [tilespmem:s8+$0xFFFFFFE0];
	[tilespmem:s6+$0xFFFFFFF0] =	vst v3;
	v0 =	vmul.f32 $3.125000000e-02, v0  }
.Ltmp6:
0xae: {  	v3 =	vld [tilespmem:s8+$0xFFFFFFF0];
	[tilespmem:s6+$0x0] =	vst v1;
	v2 =	vmul.f32 $3.125000000e-02, v2;
	(pc) =	sbr.rel @p0 .LBB2_15-.Ltmp6, $4  }
0xaf: {  	v1 =	vld [tilespmem:s8+$0x0];
	v4 =	vmul.f32 $3.125000000e-02, v4;
	[tilespmem:s6+$0x10] =	vst v0  }
0xb0: {  	v0 =	vld [tilespmem:s8+$0x10];
	v7 =	vmul.f32 $3.125000000e-02, v7;
	[tilespmem:s6+$0x20] =	vst v2  }
0xb1: {  	v5 =	vmul.f32 $3.125000000e-02, v5;
	v2 =	vld [tilespmem:s8+$0x20];
	[tilespmem:s6+$0xFFFFFFC0] =	vst v4;
	s6 =	smov.u32 s8  }
0xb2: {  	s8 =	sadd.s32 $0x400, s8;
	v4 =	vld [tilespmem:s6+$0xFFFFFFC0];
	v6 =	vmul.f32 $3.125000000e-02, v6;
	[tilespmem:s6+$0x30] =	vst v7  }
0xb3: {  	[tilespmem:s6+$0xFFFFFFD0] =	vst v5;
	v3 =	vmul.f32 $3.125000000e-02, v3;
	s5 =	sadd.s32 $0x1, s5  }
0xb4: {  	[tilespmem:s6+$0xFFFFFFE0] =	vst v6;
	v1 =	vmul.f32 $3.125000000e-02, v1;
	p0 =	sne.s32 s5, $0x10  }
.Ltmp7:
0xb5: {  	[tilespmem:s6+$0xFFFFFFF0] =	vst v3;
	v0 =	vmul.f32 $3.125000000e-02, v0;
	(pc) =	sbr.rel @p0 .LBB2_14-.Ltmp7, $4  }
0xb6: {  	[tilespmem:s6+$0x0] =	vst v1;
	v62 =	vmul.f32 $3.125000000e-02, v2  }
0xb7: {  	v63 =	vmul.f32 $3.125000000e-02, v4;
	[tilespmem:s6+$0x10] =	vst v0  }
0xb8: {  	[tilespmem:s6+$0x20] =	vst v62  }
0xb9: {  	s4 =	sadd.s32 $0x400, s4;
	s3 =	sadd.s32 $0x1, s3;
	[tilespmem:s6+$0xFFFFFFC0] =	vst v63  }
0xba: {  	s3 =	simm.s32 $0x0;
	s4 =	rddreg [dreg:$0xd]  }
0xbb: {  	[hbm4b:s4+s3] =	stream.linear.scatter [tilespmem:s11], [sflag:$0xC], $0x4000, $0x38;
	[tilespmem:$0x1C000] =	vst v63  }
0xbc: {  	_ =	swait.ge [sflag:s21], $0x4000  }
0xbd: {  	[sflag:s21] =	ssyncset.done $0x0  }
0xbe: {  	s8 =	rddreg [dreg:$0xe];
	[sflag:s21] =	ssyncadd.s32 $0xFFFFC000  }
0xbf: {  	[tilespmem:s11], [sflag:$0x4] =	stream.linear.gather [hbm4b:s8+s3], $0x4000, $0x38;
	[tilespmem:$0x1C000] =	vst v63  }
0xc0: {  	_ =	swait.ge [sflag:s22], $0x4000  }
0xc1: {  	[sflag:s22] =	ssyncset.done $0x0  }
0xc2: {  	s5 =	simm.s32 $0x0;
	s4 =	simm.s32 $0x0;
	[sflag:s22] =	ssyncadd.s32 $0xFFFFC000  }
.LBB2_18:
0xc3: {  	s6 =	sshll.u32 s4, $0x2;
	s7 =	sand.u32 $0x7, s3  }
0xc4: {  	s6 =	sand.u32 $0xFFFF8000, s6;
	s7 =	sshll.u32 s7, $0x9  }
0xc5: {  	s6 =	sor.u32 s7, s6  }
0xc6: {  	s6 =	sshrl.u32 s6, $0x2  }
0xc7: {  	s6 =	sadd.s32 $0xC040, s6  }
0xc8: {  	v2 =	vld [tilespmem:s6+$0x30]  }
0xc9: {  	v4 =	vld [tilespmem:s6+$0xFFFFFFD0]  }
0xca: {  	v6 =	vld [tilespmem:s6+$0xFFFFFFE0]  }
0xcb: {  	v3 =	vld [tilespmem:s6+$0xFFFFFFF0]  }
0xcc: {  	v1 =	vld [tilespmem:s6+$0x0]  }
0xcd: {  	v0 =	vld [tilespmem:s6+$0x10];
	v7 =	vmul.f32 $3.125000000e-02, v2  }
0xce: {  	v2 =	vld [tilespmem:s6+$0x20];
	v5 =	vmul.f32 $3.125000000e-02, v4  }
0xcf: {  	s7 =	simm.s32 $0x0;
	s8 =	sadd.s32 $0x400, s6;
	v4 =	vld [tilespmem:s6+$0xFFFFFFC0];
	v6 =	vmul.f32 $3.125000000e-02, v6;
	[tilespmem:s6+$0x30] =	vst v7  }
.LBB2_19:
0xd0: {  	v7 =	vld [tilespmem:s8+$0x30];
	s7 =	sadd.s32 $0x80, s7;
	[tilespmem:s6+$0xFFFFFFD0] =	vst v5;
	v3 =	vmul.f32 $3.125000000e-02, v3  }
0xd1: {  	v5 =	vld [tilespmem:s8+$0xFFFFFFD0];
	p0 =	slt.u32 s7, $0x380;
	[tilespmem:s6+$0xFFFFFFE0] =	vst v6;
	v1 =	vmul.f32 $3.125000000e-02, v1  }
0xd2: {  	v6 =	vld [tilespmem:s8+$0xFFFFFFE0];
	[tilespmem:s6+$0xFFFFFFF0] =	vst v3;
	v0 =	vmul.f32 $3.125000000e-02, v0  }
.Ltmp8:
0xd3: {  	v3 =	vld [tilespmem:s8+$0xFFFFFFF0];
	[tilespmem:s6+$0x0] =	vst v1;
	v2 =	vmul.f32 $3.125000000e-02, v2;
	(pc) =	sbr.rel @p0 .LBB2_19-.Ltmp8, $4  }
0xd4: {  	v1 =	vld [tilespmem:s8+$0x0];
	v4 =	vmul.f32 $3.125000000e-02, v4;
	[tilespmem:s6+$0x10] =	vst v0  }
0xd5: {  	v0 =	vld [tilespmem:s8+$0x10];
	v7 =	vmul.f32 $3.125000000e-02, v7;
	[tilespmem:s6+$0x20] =	vst v2  }
0xd6: {  	v5 =	vmul.f32 $3.125000000e-02, v5;
	v2 =	vld [tilespmem:s8+$0x20];
	[tilespmem:s6+$0xFFFFFFC0] =	vst v4;
	s6 =	smov.u32 s8  }
0xd7: {  	s8 =	sadd.s32 $0x400, s8;
	v4 =	vld [tilespmem:s6+$0xFFFFFFC0];
	v6 =	vmul.f32 $3.125000000e-02, v6;
	[tilespmem:s6+$0x30] =	vst v7  }
0xd8: {  	[tilespmem:s6+$0xFFFFFFD0] =	vst v5;
	v3 =	vmul.f32 $3.125000000e-02, v3;
	s5 =	sadd.s32 $0x1, s5  }
0xd9: {  	[tilespmem:s6+$0xFFFFFFE0] =	vst v6;
	v1 =	vmul.f32 $3.125000000e-02, v1;
	p0 =	sne.s32 s5, $0x10  }
.Ltmp9:
0xda: {  	[tilespmem:s6+$0xFFFFFFF0] =	vst v3;
	v0 =	vmul.f32 $3.125000000e-02, v0;
	(pc) =	sbr.rel @p0 .LBB2_18-.Ltmp9, $4  }
0xdb: {  	[tilespmem:s6+$0x0] =	vst v1;
	v62 =	vmul.f32 $3.125000000e-02, v2  }
0xdc: {  	v63 =	vmul.f32 $3.125000000e-02, v4;
	[tilespmem:s6+$0x10] =	vst v0  }
0xdd: {  	[tilespmem:s6+$0x20] =	vst v62  }
0xde: {  	s4 =	sadd.s32 $0x400, s4;
	s3 =	sadd.s32 $0x1, s3;
	[tilespmem:s6+$0xFFFFFFC0] =	vst v63  }
0xdf: {  	s3 =	simm.s32 $0x0;
	s4 =	rddreg [dreg:$0xf]  }
0xe0: {  	[hbm4b:s4+s3] =	stream.linear.scatter [tilespmem:s12], [sflag:$0xD], $0x4000, $0x38;
	[tilespmem:$0x1C000] =	vst v63  }
0xe1: {  	_ =	swait.ge [sflag:s23], $0x4000  }
0xe2: {  	[sflag:s23] =	ssyncset.done $0x0  }
0xe3: {  	s8 =	rddreg [dreg:$0x15];
	[sflag:s23] =	ssyncadd.s32 $0xFFFFC000  }
0xe4: {  	[tilespmem:s12], [sflag:$0x5] =	stream.linear.gather [hbm4b:s8+s3], $0x4000, $0x38;
	[tilespmem:$0x1C000] =	vst v63  }
0xe5: {  	_ =	swait.ge [sflag:s24], $0x4000  }
0xe6: {  	[sflag:s24] =	ssyncset.done $0x0  }
0xe7: {  	s5 =	simm.s32 $0x0;
	s4 =	simm.s32 $0x0;
	[sflag:s24] =	ssyncadd.s32 $0xFFFFC000  }
.LBB2_22:
0xe8: {  	s6 =	sshll.u32 s4, $0x2;
	s7 =	sand.u32 $0x7, s3  }
0xe9: {  	s6 =	sand.u32 $0xFFFF8000, s6;
	s7 =	sshll.u32 s7, $0x9  }
0xea: {  	s6 =	sor.u32 s7, s6  }
0xeb: {  	s6 =	sshrl.u32 s6, $0x2  }
0xec: {  	s6 =	sadd.s32 $0x10040, s6  }
0xed: {  	v2 =	vld [tilespmem:s6+$0x30]  }
0xee: {  	v4 =	vld [tilespmem:s6+$0xFFFFFFD0]  }
0xef: {  	v6 =	vld [tilespmem:s6+$0xFFFFFFE0]  }
0xf0: {  	v3 =	vld [tilespmem:s6+$0xFFFFFFF0]  }
0xf1: {  	v1 =	vld [tilespmem:s6+$0x0]  }
0xf2: {  	v0 =	vld [tilespmem:s6+$0x10];
	v7 =	vmul.f32 $3.125000000e-02, v2  }
0xf3: {  	v2 =	vld [tilespmem:s6+$0x20];
	v5 =	vmul.f32 $3.125000000e-02, v4  }
0xf4: {  	s7 =	simm.s32 $0x0;
	s8 =	sadd.s32 $0x400, s6;
	v4 =	vld [tilespmem:s6+$0xFFFFFFC0];
	v6 =	vmul.f32 $3.125000000e-02, v6;
	[tilespmem:s6+$0x30] =	vst v7  }
.LBB2_23:
0xf5: {  	v7 =	vld [tilespmem:s8+$0x30];
	s7 =	sadd.s32 $0x80, s7;
	[tilespmem:s6+$0xFFFFFFD0] =	vst v5;
	v3 =	vmul.f32 $3.125000000e-02, v3  }
0xf6: {  	v5 =	vld [tilespmem:s8+$0xFFFFFFD0];
	p0 =	slt.u32 s7, $0x380;
	[tilespmem:s6+$0xFFFFFFE0] =	vst v6;
	v1 =	vmul.f32 $3.125000000e-02, v1  }
0xf7: {  	v6 =	vld [tilespmem:s8+$0xFFFFFFE0];
	[tilespmem:s6+$0xFFFFFFF0] =	vst v3;
	v0 =	vmul.f32 $3.125000000e-02, v0  }
.Ltmp10:
0xf8: {  	v3 =	vld [tilespmem:s8+$0xFFFFFFF0];
	[tilespmem:s6+$0x0] =	vst v1;
	v2 =	vmul.f32 $3.125000000e-02, v2;
	(pc) =	sbr.rel @p0 .LBB2_23-.Ltmp10, $4  }
0xf9: {  	v1 =	vld [tilespmem:s8+$0x0];
	v4 =	vmul.f32 $3.125000000e-02, v4;
	[tilespmem:s6+$0x10] =	vst v0  }
0xfa: {  	v0 =	vld [tilespmem:s8+$0x10];
	v7 =	vmul.f32 $3.125000000e-02, v7;
	[tilespmem:s6+$0x20] =	vst v2  }
0xfb: {  	v5 =	vmul.f32 $3.125000000e-02, v5;
	v2 =	vld [tilespmem:s8+$0x20];
	[tilespmem:s6+$0xFFFFFFC0] =	vst v4;
	s6 =	smov.u32 s8  }
0xfc: {  	s8 =	sadd.s32 $0x400, s8;
	v4 =	vld [tilespmem:s6+$0xFFFFFFC0];
	v6 =	vmul.f32 $3.125000000e-02, v6;
	[tilespmem:s6+$0x30] =	vst v7  }
0xfd: {  	[tilespmem:s6+$0xFFFFFFD0] =	vst v5;
	v3 =	vmul.f32 $3.125000000e-02, v3;
	s5 =	sadd.s32 $0x1, s5  }
0xfe: {  	[tilespmem:s6+$0xFFFFFFE0] =	vst v6;
	v1 =	vmul.f32 $3.125000000e-02, v1;
	p0 =	sne.s32 s5, $0x10  }
.Ltmp11:
0xff: {  	[tilespmem:s6+$0xFFFFFFF0] =	vst v3;
	v0 =	vmul.f32 $3.125000000e-02, v0;
	(pc) =	sbr.rel @p0 .LBB2_22-.Ltmp11, $4  }
0x100: {  	[tilespmem:s6+$0x0] =	vst v1;
	v62 =	vmul.f32 $3.125000000e-02, v2  }
0x101: {  	v63 =	vmul.f32 $3.125000000e-02, v4;
	[tilespmem:s6+$0x10] =	vst v0  }
0x102: {  	[tilespmem:s6+$0x20] =	vst v62  }
0x103: {  	s4 =	sadd.s32 $0x400, s4;
	s3 =	sadd.s32 $0x1, s3;
	[tilespmem:s6+$0xFFFFFFC0] =	vst v63  }
0x104: {  	s3 =	simm.s32 $0x0;
	s4 =	rddreg [dreg:$0x10]  }
0x105: {  	[hbm4b:s4+s3] =	stream.linear.scatter [tilespmem:s13], [sflag:$0xE], $0x4000, $0x38;
	[tilespmem:$0x1C000] =	vst v63  }
0x106: {  	_ =	swait.ge [sflag:s25], $0x4000  }
0x107: {  	[sflag:s25] =	ssyncset.done $0x0  }
0x108: {  	s8 =	rddreg [dreg:$0x17];
	[sflag:s25] =	ssyncadd.s32 $0xFFFFC000  }
0x109: {  	[tilespmem:s13], [sflag:$0x6] =	stream.linear.gather [hbm4b:s8+s3], $0x4000, $0x38;
	[tilespmem:$0x1C000] =	vst v63  }
0x10a: {  	_ =	swait.ge [sflag:s26], $0x4000  }
0x10b: {  	[sflag:s26] =	ssyncset.done $0x0  }
0x10c: {  	s5 =	simm.s32 $0x0;
	s4 =	simm.s32 $0x0;
	[sflag:s26] =	ssyncadd.s32 $0xFFFFC000  }
.LBB2_26:
0x10d: {  	s6 =	sshll.u32 s4, $0x2;
	s7 =	sand.u32 $0x7, s3  }
0x10e: {  	s6 =	sand.u32 $0xFFFF8000, s6;
	s7 =	sshll.u32 s7, $0x9  }
0x10f: {  	s6 =	sor.u32 s7, s6  }
0x110: {  	s6 =	sshrl.u32 s6, $0x2  }
0x111: {  	s6 =	sadd.s32 $0x14040, s6  }
0x112: {  	v2 =	vld [tilespmem:s6+$0x30]  }
0x113: {  	v4 =	vld [tilespmem:s6+$0xFFFFFFD0]  }
0x114: {  	v6 =	vld [tilespmem:s6+$0xFFFFFFE0]  }
0x115: {  	v3 =	vld [tilespmem:s6+$0xFFFFFFF0]  }
0x116: {  	v1 =	vld [tilespmem:s6+$0x0]  }
0x117: {  	v0 =	vld [tilespmem:s6+$0x10];
	v7 =	vmul.f32 $3.125000000e-02, v2  }
0x118: {  	v2 =	vld [tilespmem:s6+$0x20];
	v5 =	vmul.f32 $3.125000000e-02, v4  }
0x119: {  	s7 =	simm.s32 $0x0;
	s8 =	sadd.s32 $0x400, s6;
	v4 =	vld [tilespmem:s6+$0xFFFFFFC0];
	v6 =	vmul.f32 $3.125000000e-02, v6;
	[tilespmem:s6+$0x30] =	vst v7  }
.LBB2_27:
0x11a: {  	v7 =	vld [tilespmem:s8+$0x30];
	s7 =	sadd.s32 $0x80, s7;
	[tilespmem:s6+$0xFFFFFFD0] =	vst v5;
	v3 =	vmul.f32 $3.125000000e-02, v3  }
0x11b: {  	v5 =	vld [tilespmem:s8+$0xFFFFFFD0];
	p0 =	slt.u32 s7, $0x380;
	[tilespmem:s6+$0xFFFFFFE0] =	vst v6;
	v1 =	vmul.f32 $3.125000000e-02, v1  }
0x11c: {  	v6 =	vld [tilespmem:s8+$0xFFFFFFE0];
	[tilespmem:s6+$0xFFFFFFF0] =	vst v3;
	v0 =	vmul.f32 $3.125000000e-02, v0  }
.Ltmp12:
0x11d: {  	v3 =	vld [tilespmem:s8+$0xFFFFFFF0];
	[tilespmem:s6+$0x0] =	vst v1;
	v2 =	vmul.f32 $3.125000000e-02, v2;
	(pc) =	sbr.rel @p0 .LBB2_27-.Ltmp12, $4  }
0x11e: {  	v1 =	vld [tilespmem:s8+$0x0];
	v4 =	vmul.f32 $3.125000000e-02, v4;
	[tilespmem:s6+$0x10] =	vst v0  }
0x11f: {  	v0 =	vld [tilespmem:s8+$0x10];
	v7 =	vmul.f32 $3.125000000e-02, v7;
	[tilespmem:s6+$0x20] =	vst v2  }
0x120: {  	v5 =	vmul.f32 $3.125000000e-02, v5;
	v2 =	vld [tilespmem:s8+$0x20];
	[tilespmem:s6+$0xFFFFFFC0] =	vst v4;
	s6 =	smov.u32 s8  }
0x121: {  	s8 =	sadd.s32 $0x400, s8;
	v4 =	vld [tilespmem:s6+$0xFFFFFFC0];
	v6 =	vmul.f32 $3.125000000e-02, v6;
	[tilespmem:s6+$0x30] =	vst v7  }
0x122: {  	[tilespmem:s6+$0xFFFFFFD0] =	vst v5;
	v3 =	vmul.f32 $3.125000000e-02, v3;
	s5 =	sadd.s32 $0x1, s5  }
0x123: {  	[tilespmem:s6+$0xFFFFFFE0] =	vst v6;
	v1 =	vmul.f32 $3.125000000e-02, v1;
	p0 =	sne.s32 s5, $0x10  }
.Ltmp13:
0x124: {  	[tilespmem:s6+$0xFFFFFFF0] =	vst v3;
	v0 =	vmul.f32 $3.125000000e-02, v0;
	(pc) =	sbr.rel @p0 .LBB2_26-.Ltmp13, $4  }
0x125: {  	[tilespmem:s6+$0x0] =	vst v1;
	v62 =	vmul.f32 $3.125000000e-02, v2  }
0x126: {  	v63 =	vmul.f32 $3.125000000e-02, v4;
	[tilespmem:s6+$0x10] =	vst v0  }
0x127: {  	[tilespmem:s6+$0x20] =	vst v62  }
0x128: {  	s4 =	sadd.s32 $0x400, s4;
	s3 =	sadd.s32 $0x1, s3;
	[tilespmem:s6+$0xFFFFFFC0] =	vst v63  }
0x129: {  	s3 =	simm.s32 $0x0;
	s4 =	rddreg [dreg:$0x11]  }
0x12a: {  	[hbm4b:s4+s3] =	stream.linear.scatter [tilespmem:s15], [sflag:$0xF], $0x4000, $0x38;
	[tilespmem:$0x1C000] =	vst v63  }
0x12b: {  	_ =	swait.ge [sflag:s28], $0x4000  }
0x12c: {  	[sflag:s28] =	ssyncset.done $0x0  }
0x12d: {  	s8 =	rddreg [dreg:$0x1b];
	[sflag:s28] =	ssyncadd.s32 $0xFFFFC000  }
0x12e: {  	[tilespmem:s15], [sflag:$0x7] =	stream.linear.gather [hbm4b:s8+s3], $0x4000, $0x38;
	[tilespmem:$0x1C000] =	vst v63  }
0x12f: {  	_ =	swait.ge [sflag:s29], $0x4000  }
0x130: {  	[sflag:s29] =	ssyncset.done $0x0  }
0x131: {  	s5 =	simm.s32 $0x0;
	s4 =	simm.s32 $0x0;
	[sflag:s29] =	ssyncadd.s32 $0xFFFFC000  }
.LBB2_30:
0x132: {  	s6 =	sshll.u32 s4, $0x2;
	s7 =	sand.u32 $0x7, s3  }
0x133: {  	s6 =	sand.u32 $0xFFFF8000, s6;
	s7 =	sshll.u32 s7, $0x9  }
0x134: {  	s6 =	sor.u32 s7, s6  }
0x135: {  	s6 =	sshrl.u32 s6, $0x2  }
0x136: {  	s6 =	sadd.s32 $0x18040, s6  }
0x137: {  	v2 =	vld [tilespmem:s6+$0x30]  }
0x138: {  	v4 =	vld [tilespmem:s6+$0xFFFFFFD0]  }
0x139: {  	v6 =	vld [tilespmem:s6+$0xFFFFFFE0]  }
0x13a: {  	v3 =	vld [tilespmem:s6+$0xFFFFFFF0]  }
0x13b: {  	v1 =	vld [tilespmem:s6+$0x0]  }
0x13c: {  	v0 =	vld [tilespmem:s6+$0x10];
	v7 =	vmul.f32 $3.125000000e-02, v2  }
0x13d: {  	v2 =	vld [tilespmem:s6+$0x20];
	v5 =	vmul.f32 $3.125000000e-02, v4  }
0x13e: {  	s7 =	simm.s32 $0x0;
	s8 =	sadd.s32 $0x400, s6;
	v4 =	vld [tilespmem:s6+$0xFFFFFFC0];
	v6 =	vmul.f32 $3.125000000e-02, v6;
	[tilespmem:s6+$0x30] =	vst v7  }
.LBB2_31:
0x13f: {  	v7 =	vld [tilespmem:s8+$0x30];
	s7 =	sadd.s32 $0x80, s7;
	[tilespmem:s6+$0xFFFFFFD0] =	vst v5;
	v3 =	vmul.f32 $3.125000000e-02, v3  }
0x140: {  	v5 =	vld [tilespmem:s8+$0xFFFFFFD0];
	p0 =	slt.u32 s7, $0x380;
	[tilespmem:s6+$0xFFFFFFE0] =	vst v6;
	v1 =	vmul.f32 $3.125000000e-02, v1  }
0x141: {  	v6 =	vld [tilespmem:s8+$0xFFFFFFE0];
	[tilespmem:s6+$0xFFFFFFF0] =	vst v3;
	v0 =	vmul.f32 $3.125000000e-02, v0  }
.Ltmp14:
0x142: {  	v3 =	vld [tilespmem:s8+$0xFFFFFFF0];
	[tilespmem:s6+$0x0] =	vst v1;
	v2 =	vmul.f32 $3.125000000e-02, v2;
	(pc) =	sbr.rel @p0 .LBB2_31-.Ltmp14, $4  }
0x143: {  	v1 =	vld [tilespmem:s8+$0x0];
	v4 =	vmul.f32 $3.125000000e-02, v4;
	[tilespmem:s6+$0x10] =	vst v0  }
0x144: {  	v0 =	vld [tilespmem:s8+$0x10];
	v7 =	vmul.f32 $3.125000000e-02, v7;
	[tilespmem:s6+$0x20] =	vst v2  }
0x145: {  	v5 =	vmul.f32 $3.125000000e-02, v5;
	v2 =	vld [tilespmem:s8+$0x20];
	[tilespmem:s6+$0xFFFFFFC0] =	vst v4;
	s6 =	smov.u32 s8  }
0x146: {  	s8 =	sadd.s32 $0x400, s8;
	v4 =	vld [tilespmem:s6+$0xFFFFFFC0];
	v6 =	vmul.f32 $3.125000000e-02, v6;
	[tilespmem:s6+$0x30] =	vst v7  }
0x147: {  	[tilespmem:s6+$0xFFFFFFD0] =	vst v5;
	v3 =	vmul.f32 $3.125000000e-02, v3;
	s5 =	sadd.s32 $0x1, s5  }
0x148: {  	[tilespmem:s6+$0xFFFFFFE0] =	vst v6;
	v1 =	vmul.f32 $3.125000000e-02, v1;
	p0 =	sne.s32 s5, $0x10  }
.Ltmp15:
0x149: {  	[tilespmem:s6+$0xFFFFFFF0] =	vst v3;
	v0 =	vmul.f32 $3.125000000e-02, v0;
	(pc) =	sbr.rel @p0 .LBB2_30-.Ltmp15, $4  }
0x14a: {  	[tilespmem:s6+$0x0] =	vst v1;
	v62 =	vmul.f32 $3.125000000e-02, v2  }
0x14b: {  	v63 =	vmul.f32 $3.125000000e-02, v4;
	[tilespmem:s6+$0x10] =	vst v0  }
0x14c: {  	[tilespmem:s6+$0x20] =	vst v62  }
0x14d: {  	s4 =	sadd.s32 $0x400, s4;
	s3 =	sadd.s32 $0x1, s3;
	[tilespmem:s6+$0xFFFFFFC0] =	vst v63  }
0x14e: {  	s3 =	simm.s32 $0x0;
	s4 =	rddreg [dreg:$0x12]  }
0x14f: {  	[hbm4b:s4+s3] =	stream.linear.scatter [tilespmem:s17], [sflag:$0x10], $0x4000, $0x38;
	[tilespmem:$0x1C000] =	vst v63  }
0x150: {  	_ =	swait.ge [sflag:s30], $0x4000  }
0x151: {  	[sflag:s30] =	ssyncset.done $0x0  }
0x152: {  	s8 =	rddreg [dreg:$0x1c];
	[sflag:s30] =	ssyncadd.s32 $0xFFFFC000  }
0x153: {  	[tilespmem:s17], [sflag:$0x8] =	stream.linear.gather [hbm4b:s8+s3], $0x4000, $0x38;
	[tilespmem:$0x1C000] =	vst v63  }
0x154: {  	_ =	swait.ge [sflag:s18], $0x4000  }
0x155: {  	[sflag:s18] =	ssyncset.done $0x0  }
0x156: {  	s5 =	simm.s32 $0x0;
	s4 =	simm.s32 $0x0;
	[sflag:s18] =	ssyncadd.s32 $0xFFFFC000  }
.LBB2_34:
0x157: {  	s6 =	sshll.u32 s4, $0x2;
	s7 =	sand.u32 $0x7, s3  }
0x158: {  	s6 =	sand.u32 $0xFFFF8000, s6;
	s7 =	sshll.u32 s7, $0x9  }
0x159: {  	s6 =	sor.u32 s7, s6  }
0x15a: {  	s6 =	sshrl.u32 s6, $0x2  }
0x15b: {  	s6 =	sadd.s32 $0x4040, s6  }
0x15c: {  	v2 =	vld [tilespmem:s6+$0x30]  }
0x15d: {  	v4 =	vld [tilespmem:s6+$0xFFFFFFD0]  }
0x15e: {  	v6 =	vld [tilespmem:s6+$0xFFFFFFE0]  }
0x15f: {  	v3 =	vld [tilespmem:s6+$0xFFFFFFF0]  }
0x160: {  	v1 =	vld [tilespmem:s6+$0x0]  }
0x161: {  	v0 =	vld [tilespmem:s6+$0x10];
	v7 =	vmul.f32 $3.125000000e-02, v2  }
0x162: {  	v2 =	vld [tilespmem:s6+$0x20];
	v5 =	vmul.f32 $3.125000000e-02, v4  }
0x163: {  	s7 =	simm.s32 $0x0;
	s8 =	sadd.s32 $0x400, s6;
	v4 =	vld [tilespmem:s6+$0xFFFFFFC0];
	v6 =	vmul.f32 $3.125000000e-02, v6;
	[tilespmem:s6+$0x30] =	vst v7  }
.LBB2_35:
0x164: {  	v7 =	vld [tilespmem:s8+$0x30];
	s7 =	sadd.s32 $0x80, s7;
	[tilespmem:s6+$0xFFFFFFD0] =	vst v5;
	v3 =	vmul.f32 $3.125000000e-02, v3  }
0x165: {  	v5 =	vld [tilespmem:s8+$0xFFFFFFD0];
	p0 =	slt.u32 s7, $0x380;
	[tilespmem:s6+$0xFFFFFFE0] =	vst v6;
	v1 =	vmul.f32 $3.125000000e-02, v1  }
0x166: {  	v6 =	vld [tilespmem:s8+$0xFFFFFFE0];
	[tilespmem:s6+$0xFFFFFFF0] =	vst v3;
	v0 =	vmul.f32 $3.125000000e-02, v0  }
.Ltmp16:
0x167: {  	v3 =	vld [tilespmem:s8+$0xFFFFFFF0];
	[tilespmem:s6+$0x0] =	vst v1;
	v2 =	vmul.f32 $3.125000000e-02, v2;
	(pc) =	sbr.rel @p0 .LBB2_35-.Ltmp16, $4  }
0x168: {  	v1 =	vld [tilespmem:s8+$0x0];
	v4 =	vmul.f32 $3.125000000e-02, v4;
	[tilespmem:s6+$0x10] =	vst v0  }
0x169: {  	v0 =	vld [tilespmem:s8+$0x10];
	v7 =	vmul.f32 $3.125000000e-02, v7;
	[tilespmem:s6+$0x20] =	vst v2  }
0x16a: {  	v5 =	vmul.f32 $3.125000000e-02, v5;
	v2 =	vld [tilespmem:s8+$0x20];
	[tilespmem:s6+$0xFFFFFFC0] =	vst v4;
	s6 =	smov.u32 s8  }
0x16b: {  	s8 =	sadd.s32 $0x400, s8;
	v4 =	vld [tilespmem:s6+$0xFFFFFFC0];
	v6 =	vmul.f32 $3.125000000e-02, v6;
	[tilespmem:s6+$0x30] =	vst v7  }
0x16c: {  	[tilespmem:s6+$0xFFFFFFD0] =	vst v5;
	v3 =	vmul.f32 $3.125000000e-02, v3;
	s5 =	sadd.s32 $0x1, s5  }
0x16d: {  	[tilespmem:s6+$0xFFFFFFE0] =	vst v6;
	v1 =	vmul.f32 $3.125000000e-02, v1;
	p0 =	sne.s32 s5, $0x10  }
.Ltmp17:
0x16e: {  	[tilespmem:s6+$0xFFFFFFF0] =	vst v3;
	v0 =	vmul.f32 $3.125000000e-02, v0;
	(pc) =	sbr.rel @p0 .LBB2_34-.Ltmp17, $4  }
0x16f: {  	[tilespmem:s6+$0x0] =	vst v1;
	v62 =	vmul.f32 $3.125000000e-02, v2  }
0x170: {  	v63 =	vmul.f32 $3.125000000e-02, v4;
	[tilespmem:s6+$0x10] =	vst v0  }
0x171: {  	[tilespmem:s6+$0x20] =	vst v62  }
0x172: {  	s4 =	sadd.s32 $0x400, s4;
	s3 =	sadd.s32 $0x1, s3;
	[tilespmem:s6+$0xFFFFFFC0] =	vst v63  }
0x173: {  	s3 =	simm.s32 $0x0;
	s4 =	rddreg [dreg:$0x13]  }
0x174: {  	[hbm4b:s4+s3] =	stream.linear.scatter [tilespmem:s10], [sflag:$0xB], $0x4000, $0x38;
	[tilespmem:$0x1C000] =	vst v63  }
0x175: {  	_ =	swait.ge [sflag:s19], $0x4000  }
0x176: {  	[sflag:s19] =	ssyncset.done $0x0  }
0x177: {  	s8 =	rddreg [dreg:$0x1d];
	[sflag:s19] =	ssyncadd.s32 $0xFFFFC000  }
0x178: {  	[tilespmem:s10], [sflag:$0x3] =	stream.linear.gather [hbm4b:s8+s3], $0x4000, $0x38;
	[tilespmem:$0x1C000] =	vst v63  }
0x179: {  	_ =	swait.ge [sflag:s20], $0x4000  }
0x17a: {  	[sflag:s20] =	ssyncset.done $0x0  }
0x17b: {  	s5 =	simm.s32 $0x0;
	s4 =	simm.s32 $0x0;
	[sflag:s20] =	ssyncadd.s32 $0xFFFFC000  }
.LBB2_38:
0x17c: {  	s6 =	sshll.u32 s4, $0x2;
	s7 =	sand.u32 $0x7, s3  }
0x17d: {  	s6 =	sand.u32 $0xFFFF8000, s6;
	s7 =	sshll.u32 s7, $0x9  }
0x17e: {  	s6 =	sor.u32 s7, s6  }
0x17f: {  	s6 =	sshrl.u32 s6, $0x2  }
0x180: {  	s6 =	sadd.s32 $0x8040, s6  }
0x181: {  	v2 =	vld [tilespmem:s6+$0x30]  }
0x182: {  	v4 =	vld [tilespmem:s6+$0xFFFFFFD0]  }
0x183: {  	v6 =	vld [tilespmem:s6+$0xFFFFFFE0]  }
0x184: {  	v3 =	vld [tilespmem:s6+$0xFFFFFFF0]  }
0x185: {  	v1 =	vld [tilespmem:s6+$0x0]  }
0x186: {  	v0 =	vld [tilespmem:s6+$0x10];
	v7 =	vmul.f32 $3.125000000e-02, v2  }
0x187: {  	v2 =	vld [tilespmem:s6+$0x20];
	v5 =	vmul.f32 $3.125000000e-02, v4  }
0x188: {  	s7 =	simm.s32 $0x0;
	s8 =	sadd.s32 $0x400, s6;
	v4 =	vld [tilespmem:s6+$0xFFFFFFC0];
	v6 =	vmul.f32 $3.125000000e-02, v6;
	[tilespmem:s6+$0x30] =	vst v7  }
.LBB2_39:
0x189: {  	v7 =	vld [tilespmem:s8+$0x30];
	s7 =	sadd.s32 $0x80, s7;
	[tilespmem:s6+$0xFFFFFFD0] =	vst v5;
	v3 =	vmul.f32 $3.125000000e-02, v3  }
0x18a: {  	v5 =	vld [tilespmem:s8+$0xFFFFFFD0];
	p0 =	slt.u32 s7, $0x380;
	[tilespmem:s6+$0xFFFFFFE0] =	vst v6;
	v1 =	vmul.f32 $3.125000000e-02, v1  }
0x18b: {  	v6 =	vld [tilespmem:s8+$0xFFFFFFE0];
	[tilespmem:s6+$0xFFFFFFF0] =	vst v3;
	v0 =	vmul.f32 $3.125000000e-02, v0  }
.Ltmp18:
0x18c: {  	v3 =	vld [tilespmem:s8+$0xFFFFFFF0];
	[tilespmem:s6+$0x0] =	vst v1;
	v2 =	vmul.f32 $3.125000000e-02, v2;
	(pc) =	sbr.rel @p0 .LBB2_39-.Ltmp18, $4  }
0x18d: {  	v1 =	vld [tilespmem:s8+$0x0];
	v4 =	vmul.f32 $3.125000000e-02, v4;
	[tilespmem:s6+$0x10] =	vst v0  }
0x18e: {  	v0 =	vld [tilespmem:s8+$0x10];
	v7 =	vmul.f32 $3.125000000e-02, v7;
	[tilespmem:s6+$0x20] =	vst v2  }
0x18f: {  	v5 =	vmul.f32 $3.125000000e-02, v5;
	v2 =	vld [tilespmem:s8+$0x20];
	[tilespmem:s6+$0xFFFFFFC0] =	vst v4;
	s6 =	smov.u32 s8  }
0x190: {  	s8 =	sadd.s32 $0x400, s8;
	v4 =	vld [tilespmem:s6+$0xFFFFFFC0];
	v6 =	vmul.f32 $3.125000000e-02, v6;
	[tilespmem:s6+$0x30] =	vst v7  }
0x191: {  	[tilespmem:s6+$0xFFFFFFD0] =	vst v5;
	v3 =	vmul.f32 $3.125000000e-02, v3;
	s5 =	sadd.s32 $0x1, s5  }
0x192: {  	[tilespmem:s6+$0xFFFFFFE0] =	vst v6;
	v1 =	vmul.f32 $3.125000000e-02, v1;
	p0 =	sne.s32 s5, $0x10  }
.Ltmp19:
0x193: {  	[tilespmem:s6+$0xFFFFFFF0] =	vst v3;
	v0 =	vmul.f32 $3.125000000e-02, v0;
	(pc) =	sbr.rel @p0 .LBB2_38-.Ltmp19, $4  }
0x194: {  	[tilespmem:s6+$0x0] =	vst v1;
	v62 =	vmul.f32 $3.125000000e-02, v2  }
0x195: {  	v63 =	vmul.f32 $3.125000000e-02, v4;
	[tilespmem:s6+$0x10] =	vst v0  }
0x196: {  	[tilespmem:s6+$0x20] =	vst v62  }
0x197: {  	s4 =	sadd.s32 $0x400, s4;
	s3 =	sadd.s32 $0x1, s3;
	[tilespmem:s6+$0xFFFFFFC0] =	vst v63  }
0x198: {  	s3 =	simm.s32 $0x0;
	s4 =	rddreg [dreg:$0x14]  }
0x199: {  	[hbm4b:s4+s3] =	stream.linear.scatter [tilespmem:s11], [sflag:$0xC], $0x4000, $0x38;
	[tilespmem:$0x1C000] =	vst v63  }
0x19a: {  	_ =	swait.ge [sflag:s21], $0x4000  }
0x19b: {  	[sflag:s21] =	ssyncset.done $0x0  }
0x19c: {  	s8 =	rddreg [dreg:$0x1e];
	[sflag:s21] =	ssyncadd.s32 $0xFFFFC000  }
0x19d: {  	[tilespmem:s11], [sflag:$0x4] =	stream.linear.gather [hbm4b:s8+s3], $0x4000, $0x38;
	[tilespmem:$0x1C000] =	vst v63  }
0x19e: {  	_ =	swait.ge [sflag:s22], $0x4000  }
0x19f: {  	[sflag:s22] =	ssyncset.done $0x0  }
0x1a0: {  	s5 =	simm.s32 $0x0;
	s4 =	simm.s32 $0x0;
	[sflag:s22] =	ssyncadd.s32 $0xFFFFC000  }
.LBB2_42:
0x1a1: {  	s6 =	sshll.u32 s4, $0x2;
	s7 =	sand.u32 $0x7, s3  }
0x1a2: {  	s6 =	sand.u32 $0xFFFF8000, s6;
	s7 =	sshll.u32 s7, $0x9  }
0x1a3: {  	s6 =	sor.u32 s7, s6  }
0x1a4: {  	s6 =	sshrl.u32 s6, $0x2  }
0x1a5: {  	s6 =	sadd.s32 $0xC040, s6  }
0x1a6: {  	v2 =	vld [tilespmem:s6+$0x30]  }
0x1a7: {  	v4 =	vld [tilespmem:s6+$0xFFFFFFD0]  }
0x1a8: {  	v6 =	vld [tilespmem:s6+$0xFFFFFFE0]  }
0x1a9: {  	v3 =	vld [tilespmem:s6+$0xFFFFFFF0]  }
0x1aa: {  	v1 =	vld [tilespmem:s6+$0x0]  }
0x1ab: {  	v0 =	vld [tilespmem:s6+$0x10];
	v7 =	vmul.f32 $3.125000000e-02, v2  }
0x1ac: {  	v2 =	vld [tilespmem:s6+$0x20];
	v5 =	vmul.f32 $3.125000000e-02, v4  }
0x1ad: {  	s7 =	simm.s32 $0x0;
	s8 =	sadd.s32 $0x400, s6;
	v4 =	vld [tilespmem:s6+$0xFFFFFFC0];
	v6 =	vmul.f32 $3.125000000e-02, v6;
	[tilespmem:s6+$0x30] =	vst v7  }
.LBB2_43:
0x1ae: {  	v7 =	vld [tilespmem:s8+$0x30];
	s7 =	sadd.s32 $0x80, s7;
	[tilespmem:s6+$0xFFFFFFD0] =	vst v5;
	v3 =	vmul.f32 $3.125000000e-02, v3  }
0x1af: {  	v5 =	vld [tilespmem:s8+$0xFFFFFFD0];
	p0 =	slt.u32 s7, $0x380;
	[tilespmem:s6+$0xFFFFFFE0] =	vst v6;
	v1 =	vmul.f32 $3.125000000e-02, v1  }
0x1b0: {  	v6 =	vld [tilespmem:s8+$0xFFFFFFE0];
	[tilespmem:s6+$0xFFFFFFF0] =	vst v3;
	v0 =	vmul.f32 $3.125000000e-02, v0  }
.Ltmp20:
0x1b1: {  	v3 =	vld [tilespmem:s8+$0xFFFFFFF0];
	[tilespmem:s6+$0x0] =	vst v1;
	v2 =	vmul.f32 $3.125000000e-02, v2;
	(pc) =	sbr.rel @p0 .LBB2_43-.Ltmp20, $4  }
0x1b2: {  	v1 =	vld [tilespmem:s8+$0x0];
	v4 =	vmul.f32 $3.125000000e-02, v4;
	[tilespmem:s6+$0x10] =	vst v0  }
0x1b3: {  	v0 =	vld [tilespmem:s8+$0x10];
	v7 =	vmul.f32 $3.125000000e-02, v7;
	[tilespmem:s6+$0x20] =	vst v2  }
0x1b4: {  	v5 =	vmul.f32 $3.125000000e-02, v5;
	v2 =	vld [tilespmem:s8+$0x20];
	[tilespmem:s6+$0xFFFFFFC0] =	vst v4;
	s6 =	smov.u32 s8  }
0x1b5: {  	s8 =	sadd.s32 $0x400, s8;
	v4 =	vld [tilespmem:s6+$0xFFFFFFC0];
	v6 =	vmul.f32 $3.125000000e-02, v6;
	[tilespmem:s6+$0x30] =	vst v7  }
0x1b6: {  	[tilespmem:s6+$0xFFFFFFD0] =	vst v5;
	v3 =	vmul.f32 $3.125000000e-02, v3;
	s5 =	sadd.s32 $0x1, s5  }
0x1b7: {  	[tilespmem:s6+$0xFFFFFFE0] =	vst v6;
	v1 =	vmul.f32 $3.125000000e-02, v1;
	p0 =	sne.s32 s5, $0x10  }
.Ltmp21:
0x1b8: {  	[tilespmem:s6+$0xFFFFFFF0] =	vst v3;
	v0 =	vmul.f32 $3.125000000e-02, v0;
	(pc) =	sbr.rel @p0 .LBB2_42-.Ltmp21, $4  }
0x1b9: {  	[tilespmem:s6+$0x0] =	vst v1;
	v62 =	vmul.f32 $3.125000000e-02, v2  }
0x1ba: {  	v63 =	vmul.f32 $3.125000000e-02, v4;
	[tilespmem:s6+$0x10] =	vst v0  }
0x1bb: {  	[tilespmem:s6+$0x20] =	vst v62  }
0x1bc: {  	s4 =	sadd.s32 $0x400, s4;
	s3 =	sadd.s32 $0x1, s3;
	[tilespmem:s6+$0xFFFFFFC0] =	vst v63  }
0x1bd: {  	s3 =	simm.s32 $0x0;
	s4 =	rddreg [dreg:$0x16]  }
0x1be: {  	[hbm4b:s4+s3] =	stream.linear.scatter [tilespmem:s12], [sflag:$0xD], $0x4000, $0x38;
	[tilespmem:$0x1C000] =	vst v63  }
0x1bf: {  	_ =	swait.ge [sflag:s31], $0x2000  }
0x1c0: {  	[sflag:s31] =	ssyncset.done $0x0  }
0x1c1: {  	s8 =	rddreg [dreg:$0x1f];
	[sflag:s31] =	ssyncadd.s32 $0xFFFFE000  }
0x1c2: {  	[tilespmem:s3], [sflag:$0x1] =	stream.linear.gather [hbm4b:s8+s3], $0x2000, $0x38;
	[tilespmem:$0x1C000] =	vst v63  }
0x1c3: {  	_ =	swait.ge [sflag:s24], $0x4000  }
0x1c4: {  	[sflag:s24] =	ssyncset.done $0x0  }
0x1c5: {  	s5 =	simm.s32 $0x0;
	s4 =	simm.s32 $0x0;
	[sflag:s24] =	ssyncadd.s32 $0xFFFFC000  }
.LBB2_46:
0x1c6: {  	s6 =	sshll.u32 s4, $0x2;
	s7 =	sand.u32 $0x7, s3  }
0x1c7: {  	s6 =	sand.u32 $0xFFFF8000, s6;
	s7 =	sshll.u32 s7, $0x9  }
0x1c8: {  	s6 =	sor.u32 s7, s6  }
0x1c9: {  	s6 =	sshrl.u32 s6, $0x2  }
0x1ca: {  	s6 =	sadd.s32 $0x10040, s6  }
0x1cb: {  	v2 =	vld [tilespmem:s6+$0x30]  }
0x1cc: {  	v4 =	vld [tilespmem:s6+$0xFFFFFFD0]  }
0x1cd: {  	v6 =	vld [tilespmem:s6+$0xFFFFFFE0]  }
0x1ce: {  	v3 =	vld [tilespmem:s6+$0xFFFFFFF0]  }
0x1cf: {  	v1 =	vld [tilespmem:s6+$0x0]  }
0x1d0: {  	v0 =	vld [tilespmem:s6+$0x10];
	v7 =	vmul.f32 $3.125000000e-02, v2  }
0x1d1: {  	v2 =	vld [tilespmem:s6+$0x20];
	v5 =	vmul.f32 $3.125000000e-02, v4  }
0x1d2: {  	s7 =	simm.s32 $0x0;
	s8 =	sadd.s32 $0x400, s6;
	v4 =	vld [tilespmem:s6+$0xFFFFFFC0];
	v6 =	vmul.f32 $3.125000000e-02, v6;
	[tilespmem:s6+$0x30] =	vst v7  }
.LBB2_47:
0x1d3: {  	v7 =	vld [tilespmem:s8+$0x30];
	s7 =	sadd.s32 $0x80, s7;
	[tilespmem:s6+$0xFFFFFFD0] =	vst v5;
	v3 =	vmul.f32 $3.125000000e-02, v3  }
0x1d4: {  	v5 =	vld [tilespmem:s8+$0xFFFFFFD0];
	p0 =	slt.u32 s7, $0x380;
	[tilespmem:s6+$0xFFFFFFE0] =	vst v6;
	v1 =	vmul.f32 $3.125000000e-02, v1  }
0x1d5: {  	v6 =	vld [tilespmem:s8+$0xFFFFFFE0];
	[tilespmem:s6+$0xFFFFFFF0] =	vst v3;
	v0 =	vmul.f32 $3.125000000e-02, v0  }
.Ltmp22:
0x1d6: {  	v3 =	vld [tilespmem:s8+$0xFFFFFFF0];
	[tilespmem:s6+$0x0] =	vst v1;
	v2 =	vmul.f32 $3.125000000e-02, v2;
	(pc) =	sbr.rel @p0 .LBB2_47-.Ltmp22, $4  }
0x1d7: {  	v1 =	vld [tilespmem:s8+$0x0];
	v4 =	vmul.f32 $3.125000000e-02, v4;
	[tilespmem:s6+$0x10] =	vst v0  }
0x1d8: {  	v0 =	vld [tilespmem:s8+$0x10];
	v7 =	vmul.f32 $3.125000000e-02, v7;
	[tilespmem:s6+$0x20] =	vst v2  }
0x1d9: {  	v5 =	vmul.f32 $3.125000000e-02, v5;
	v2 =	vld [tilespmem:s8+$0x20];
	[tilespmem:s6+$0xFFFFFFC0] =	vst v4;
	s6 =	smov.u32 s8  }
0x1da: {  	s8 =	sadd.s32 $0x400, s8;
	v4 =	vld [tilespmem:s6+$0xFFFFFFC0];
	v6 =	vmul.f32 $3.125000000e-02, v6;
	[tilespmem:s6+$0x30] =	vst v7  }
0x1db: {  	[tilespmem:s6+$0xFFFFFFD0] =	vst v5;
	v3 =	vmul.f32 $3.125000000e-02, v3;
	s5 =	sadd.s32 $0x1, s5  }
0x1dc: {  	[tilespmem:s6+$0xFFFFFFE0] =	vst v6;
	v1 =	vmul.f32 $3.125000000e-02, v1;
	p0 =	sne.s32 s5, $0x10  }
.Ltmp23:
0x1dd: {  	[tilespmem:s6+$0xFFFFFFF0] =	vst v3;
	v0 =	vmul.f32 $3.125000000e-02, v0;
	(pc) =	sbr.rel @p0 .LBB2_46-.Ltmp23, $4  }
0x1de: {  	[tilespmem:s6+$0x0] =	vst v1;
	v62 =	vmul.f32 $3.125000000e-02, v2  }
0x1df: {  	v63 =	vmul.f32 $3.125000000e-02, v4;
	[tilespmem:s6+$0x10] =	vst v0  }
0x1e0: {  	[tilespmem:s6+$0x20] =	vst v62  }
0x1e1: {  	s4 =	sadd.s32 $0x400, s4;
	s3 =	sadd.s32 $0x1, s3;
	[tilespmem:s6+$0xFFFFFFC0] =	vst v63  }
0x1e2: {  	s3 =	simm.s32 $0x0;
	s4 =	rddreg [dreg:$0x18]  }
0x1e3: {  	[hbm4b:s4+s3] =	stream.linear.scatter [tilespmem:s13], [sflag:$0xE], $0x4000, $0x38;
	[tilespmem:$0x1C000] =	vst v63  }
0x1e4: {  	_ =	swait.ge [sflag:s0], $0x2000  }
0x1e5: {  	s8 =	sld [smem:$0x7F6]  }
0x1e6: {  	[sflag:s0] =	ssyncset.done $0x0  }
0x1e7: {  	[sflag:s0] =	ssyncadd.s32 $0xFFFFE000  }
0x1e8: {  	[tilespmem:s9], [sflag:$0x2] =	stream.linear.gather [hbm4b:s8+s3], $0x2000, $0x38;
	[tilespmem:$0x1C000] =	vst v63  }
0x1e9: {  	_ =	swait.ge [sflag:s26], $0x4000  }
0x1ea: {  	[sflag:s26] =	ssyncset.done $0x0  }
0x1eb: {  	s5 =	simm.s32 $0x0;
	s4 =	simm.s32 $0x0;
	[sflag:s26] =	ssyncadd.s32 $0xFFFFC000  }
.LBB2_50:
0x1ec: {  	s6 =	sshll.u32 s4, $0x2;
	s7 =	sand.u32 $0x7, s3  }
0x1ed: {  	s6 =	sand.u32 $0xFFFF8000, s6;
	s7 =	sshll.u32 s7, $0x9  }
0x1ee: {  	s6 =	sor.u32 s7, s6  }
0x1ef: {  	s6 =	sshrl.u32 s6, $0x2  }
0x1f0: {  	s6 =	sadd.s32 $0x14040, s6  }
0x1f1: {  	v2 =	vld [tilespmem:s6+$0x30]  }
0x1f2: {  	v4 =	vld [tilespmem:s6+$0xFFFFFFD0]  }
0x1f3: {  	v6 =	vld [tilespmem:s6+$0xFFFFFFE0]  }
0x1f4: {  	v3 =	vld [tilespmem:s6+$0xFFFFFFF0]  }
0x1f5: {  	v1 =	vld [tilespmem:s6+$0x0]  }
0x1f6: {  	v0 =	vld [tilespmem:s6+$0x10];
	v7 =	vmul.f32 $3.125000000e-02, v2  }
0x1f7: {  	v2 =	vld [tilespmem:s6+$0x20];
	v5 =	vmul.f32 $3.125000000e-02, v4  }
0x1f8: {  	s7 =	simm.s32 $0x0;
	s8 =	sadd.s32 $0x400, s6;
	v4 =	vld [tilespmem:s6+$0xFFFFFFC0];
	v6 =	vmul.f32 $3.125000000e-02, v6;
	[tilespmem:s6+$0x30] =	vst v7  }
.LBB2_51:
0x1f9: {  	v7 =	vld [tilespmem:s8+$0x30];
	s7 =	sadd.s32 $0x80, s7;
	[tilespmem:s6+$0xFFFFFFD0] =	vst v5;
	v3 =	vmul.f32 $3.125000000e-02, v3  }
0x1fa: {  	v5 =	vld [tilespmem:s8+$0xFFFFFFD0];
	p0 =	slt.u32 s7, $0x380;
	[tilespmem:s6+$0xFFFFFFE0] =	vst v6;
	v1 =	vmul.f32 $3.125000000e-02, v1  }
0x1fb: {  	v6 =	vld [tilespmem:s8+$0xFFFFFFE0];
	[tilespmem:s6+$0xFFFFFFF0] =	vst v3;
	v0 =	vmul.f32 $3.125000000e-02, v0  }
.Ltmp24:
0x1fc: {  	v3 =	vld [tilespmem:s8+$0xFFFFFFF0];
	[tilespmem:s6+$0x0] =	vst v1;
	v2 =	vmul.f32 $3.125000000e-02, v2;
	(pc) =	sbr.rel @p0 .LBB2_51-.Ltmp24, $4  }
0x1fd: {  	v1 =	vld [tilespmem:s8+$0x0];
	v4 =	vmul.f32 $3.125000000e-02, v4;
	[tilespmem:s6+$0x10] =	vst v0  }
0x1fe: {  	v0 =	vld [tilespmem:s8+$0x10];
	v7 =	vmul.f32 $3.125000000e-02, v7;
	[tilespmem:s6+$0x20] =	vst v2  }
0x1ff: {  	v5 =	vmul.f32 $3.125000000e-02, v5;
	v2 =	vld [tilespmem:s8+$0x20];
	[tilespmem:s6+$0xFFFFFFC0] =	vst v4;
	s6 =	smov.u32 s8  }
0x200: {  	s8 =	sadd.s32 $0x400, s8;
	v4 =	vld [tilespmem:s6+$0xFFFFFFC0];
	v6 =	vmul.f32 $3.125000000e-02, v6;
	[tilespmem:s6+$0x30] =	vst v7  }
0x201: {  	[tilespmem:s6+$0xFFFFFFD0] =	vst v5;
	v3 =	vmul.f32 $3.125000000e-02, v3;
	s5 =	sadd.s32 $0x1, s5  }
0x202: {  	[tilespmem:s6+$0xFFFFFFE0] =	vst v6;
	v1 =	vmul.f32 $3.125000000e-02, v1;
	p0 =	sne.s32 s5, $0x10  }
.Ltmp25:
0x203: {  	[tilespmem:s6+$0xFFFFFFF0] =	vst v3;
	v0 =	vmul.f32 $3.125000000e-02, v0;
	(pc) =	sbr.rel @p0 .LBB2_50-.Ltmp25, $4  }
0x204: {  	[tilespmem:s6+$0x0] =	vst v1;
	v62 =	vmul.f32 $3.125000000e-02, v2  }
0x205: {  	v63 =	vmul.f32 $3.125000000e-02, v4;
	[tilespmem:s6+$0x10] =	vst v0  }
0x206: {  	[tilespmem:s6+$0x20] =	vst v62  }
0x207: {  	s4 =	sadd.s32 $0x400, s4;
	s3 =	sadd.s32 $0x1, s3;
	[tilespmem:s6+$0xFFFFFFC0] =	vst v63  }
0x208: {  	s4 =	sld [smem:$0x7F7];
	_ =	sdelay $0x1  }
0x209: {  	s3 =	simm.s32 $0x0  }
0x20a: {  	[hbm4b:s4+s3] =	stream.linear.scatter [tilespmem:s15], [sflag:$0xF], $0x4000, $0x38;
	[tilespmem:$0x1C000] =	vst v63  }
0x20b: {  	_ =	swait.ge [sflag:s29], $0x4000  }
0x20c: {  	[sflag:s29] =	ssyncset.done $0x0  }
0x20d: {  	s5 =	simm.s32 $0x0;
	s4 =	simm.s32 $0x0;
	[sflag:s29] =	ssyncadd.s32 $0xFFFFC000  }
.LBB2_54:
0x20e: {  	s6 =	sshll.u32 s4, $0x2;
	s7 =	sand.u32 $0x7, s3  }
0x20f: {  	s6 =	sand.u32 $0xFFFF8000, s6;
	s7 =	sshll.u32 s7, $0x9  }
0x210: {  	s6 =	sor.u32 s7, s6  }
0x211: {  	s6 =	sshrl.u32 s6, $0x2  }
0x212: {  	s6 =	sadd.s32 $0x18040, s6  }
0x213: {  	v2 =	vld [tilespmem:s6+$0x30]  }
0x214: {  	v4 =	vld [tilespmem:s6+$0xFFFFFFD0]  }
0x215: {  	v6 =	vld [tilespmem:s6+$0xFFFFFFE0]  }
0x216: {  	v3 =	vld [tilespmem:s6+$0xFFFFFFF0]  }
0x217: {  	v1 =	vld [tilespmem:s6+$0x0]  }
0x218: {  	v0 =	vld [tilespmem:s6+$0x10];
	v7 =	vmul.f32 $3.125000000e-02, v2  }
0x219: {  	v2 =	vld [tilespmem:s6+$0x20];
	v5 =	vmul.f32 $3.125000000e-02, v4  }
0x21a: {  	s7 =	simm.s32 $0x0;
	s8 =	sadd.s32 $0x400, s6;
	v4 =	vld [tilespmem:s6+$0xFFFFFFC0];
	v6 =	vmul.f32 $3.125000000e-02, v6;
	[tilespmem:s6+$0x30] =	vst v7  }
.LBB2_55:
0x21b: {  	v7 =	vld [tilespmem:s8+$0x30];
	s7 =	sadd.s32 $0x80, s7;
	[tilespmem:s6+$0xFFFFFFD0] =	vst v5;
	v3 =	vmul.f32 $3.125000000e-02, v3  }
0x21c: {  	v5 =	vld [tilespmem:s8+$0xFFFFFFD0];
	p0 =	slt.u32 s7, $0x380;
	[tilespmem:s6+$0xFFFFFFE0] =	vst v6;
	v1 =	vmul.f32 $3.125000000e-02, v1  }
0x21d: {  	v6 =	vld [tilespmem:s8+$0xFFFFFFE0];
	[tilespmem:s6+$0xFFFFFFF0] =	vst v3;
	v0 =	vmul.f32 $3.125000000e-02, v0  }
.Ltmp26:
0x21e: {  	v3 =	vld [tilespmem:s8+$0xFFFFFFF0];
	[tilespmem:s6+$0x0] =	vst v1;
	v2 =	vmul.f32 $3.125000000e-02, v2;
	(pc) =	sbr.rel @p0 .LBB2_55-.Ltmp26, $4  }
0x21f: {  	v1 =	vld [tilespmem:s8+$0x0];
	v4 =	vmul.f32 $3.125000000e-02, v4;
	[tilespmem:s6+$0x10] =	vst v0  }
0x220: {  	v0 =	vld [tilespmem:s8+$0x10];
	v7 =	vmul.f32 $3.125000000e-02, v7;
	[tilespmem:s6+$0x20] =	vst v2  }
0x221: {  	v5 =	vmul.f32 $3.125000000e-02, v5;
	v2 =	vld [tilespmem:s8+$0x20];
	[tilespmem:s6+$0xFFFFFFC0] =	vst v4;
	s6 =	smov.u32 s8  }
0x222: {  	s8 =	sadd.s32 $0x400, s8;
	v4 =	vld [tilespmem:s6+$0xFFFFFFC0];
	v6 =	vmul.f32 $3.125000000e-02, v6;
	[tilespmem:s6+$0x30] =	vst v7  }
0x223: {  	[tilespmem:s6+$0xFFFFFFD0] =	vst v5;
	v3 =	vmul.f32 $3.125000000e-02, v3;
	s5 =	sadd.s32 $0x1, s5  }
0x224: {  	[tilespmem:s6+$0xFFFFFFE0] =	vst v6;
	v1 =	vmul.f32 $3.125000000e-02, v1;
	p0 =	sne.s32 s5, $0x10  }
.Ltmp27:
0x225: {  	[tilespmem:s6+$0xFFFFFFF0] =	vst v3;
	v0 =	vmul.f32 $3.125000000e-02, v0;
	(pc) =	sbr.rel @p0 .LBB2_54-.Ltmp27, $4  }
0x226: {  	[tilespmem:s6+$0x0] =	vst v1;
	v62 =	vmul.f32 $3.125000000e-02, v2  }
0x227: {  	v63 =	vmul.f32 $3.125000000e-02, v4;
	[tilespmem:s6+$0x10] =	vst v0  }
0x228: {  	[tilespmem:s6+$0x20] =	vst v62  }
0x229: {  	s4 =	sadd.s32 $0x400, s4;
	s3 =	sadd.s32 $0x1, s3;
	[tilespmem:s6+$0xFFFFFFC0] =	vst v63  }
0x22a: {  	s4 =	sld [smem:$0x7F8];
	_ =	sdelay $0x1  }
0x22b: {  	s3 =	simm.s32 $0x0  }
0x22c: {  	[hbm4b:s4+s3] =	stream.linear.scatter [tilespmem:s17], [sflag:$0x10], $0x4000, $0x38;
	[tilespmem:$0x1C000] =	vst v63  }
0x22d: {  	_ =	swait.ge [sflag:s18], $0x4000  }
0x22e: {  	[sflag:s18] =	ssyncset.done $0x0  }
0x22f: {  	s5 =	simm.s32 $0x0;
	s4 =	simm.s32 $0x0;
	[sflag:s18] =	ssyncadd.s32 $0xFFFFC000  }
.LBB2_58:
0x230: {  	s6 =	sshll.u32 s4, $0x2;
	s7 =	sand.u32 $0x7, s3  }
0x231: {  	s6 =	sand.u32 $0xFFFF8000, s6;
	s7 =	sshll.u32 s7, $0x9  }
0x232: {  	s6 =	sor.u32 s7, s6  }
0x233: {  	s6 =	sshrl.u32 s6, $0x2  }
0x234: {  	s6 =	sadd.s32 $0x4040, s6  }
0x235: {  	v2 =	vld [tilespmem:s6+$0x30]  }
0x236: {  	v4 =	vld [tilespmem:s6+$0xFFFFFFD0]  }
0x237: {  	v6 =	vld [tilespmem:s6+$0xFFFFFFE0]  }
0x238: {  	v3 =	vld [tilespmem:s6+$0xFFFFFFF0]  }
0x239: {  	v1 =	vld [tilespmem:s6+$0x0]  }
0x23a: {  	v0 =	vld [tilespmem:s6+$0x10];
	v7 =	vmul.f32 $3.125000000e-02, v2  }
0x23b: {  	v2 =	vld [tilespmem:s6+$0x20];
	v5 =	vmul.f32 $3.125000000e-02, v4  }
0x23c: {  	s7 =	simm.s32 $0x0;
	s8 =	sadd.s32 $0x400, s6;
	v4 =	vld [tilespmem:s6+$0xFFFFFFC0];
	v6 =	vmul.f32 $3.125000000e-02, v6;
	[tilespmem:s6+$0x30] =	vst v7  }
.LBB2_59:
0x23d: {  	v7 =	vld [tilespmem:s8+$0x30];
	s7 =	sadd.s32 $0x80, s7;
	[tilespmem:s6+$0xFFFFFFD0] =	vst v5;
	v3 =	vmul.f32 $3.125000000e-02, v3  }
0x23e: {  	v5 =	vld [tilespmem:s8+$0xFFFFFFD0];
	p0 =	slt.u32 s7, $0x380;
	[tilespmem:s6+$0xFFFFFFE0] =	vst v6;
	v1 =	vmul.f32 $3.125000000e-02, v1  }
0x23f: {  	v6 =	vld [tilespmem:s8+$0xFFFFFFE0];
	[tilespmem:s6+$0xFFFFFFF0] =	vst v3;
	v0 =	vmul.f32 $3.125000000e-02, v0  }
.Ltmp28:
0x240: {  	v3 =	vld [tilespmem:s8+$0xFFFFFFF0];
	[tilespmem:s6+$0x0] =	vst v1;
	v2 =	vmul.f32 $3.125000000e-02, v2;
	(pc) =	sbr.rel @p0 .LBB2_59-.Ltmp28, $4  }
0x241: {  	v1 =	vld [tilespmem:s8+$0x0];
	v4 =	vmul.f32 $3.125000000e-02, v4;
	[tilespmem:s6+$0x10] =	vst v0  }
0x242: {  	v0 =	vld [tilespmem:s8+$0x10];
	v7 =	vmul.f32 $3.125000000e-02, v7;
	[tilespmem:s6+$0x20] =	vst v2  }
0x243: {  	v5 =	vmul.f32 $3.125000000e-02, v5;
	v2 =	vld [tilespmem:s8+$0x20];
	[tilespmem:s6+$0xFFFFFFC0] =	vst v4;
	s6 =	smov.u32 s8  }
0x244: {  	s8 =	sadd.s32 $0x400, s8;
	v4 =	vld [tilespmem:s6+$0xFFFFFFC0];
	v6 =	vmul.f32 $3.125000000e-02, v6;
	[tilespmem:s6+$0x30] =	vst v7  }
0x245: {  	[tilespmem:s6+$0xFFFFFFD0] =	vst v5;
	v3 =	vmul.f32 $3.125000000e-02, v3;
	s5 =	sadd.s32 $0x1, s5  }
0x246: {  	[tilespmem:s6+$0xFFFFFFE0] =	vst v6;
	v1 =	vmul.f32 $3.125000000e-02, v1;
	p0 =	sne.s32 s5, $0x10  }
.Ltmp29:
0x247: {  	[tilespmem:s6+$0xFFFFFFF0] =	vst v3;
	v0 =	vmul.f32 $3.125000000e-02, v0;
	(pc) =	sbr.rel @p0 .LBB2_58-.Ltmp29, $4  }
0x248: {  	[tilespmem:s6+$0x0] =	vst v1;
	v62 =	vmul.f32 $3.125000000e-02, v2  }
0x249: {  	v63 =	vmul.f32 $3.125000000e-02, v4;
	[tilespmem:s6+$0x10] =	vst v0  }
0x24a: {  	[tilespmem:s6+$0x20] =	vst v62  }
0x24b: {  	s4 =	sadd.s32 $0x400, s4;
	s3 =	sadd.s32 $0x1, s3;
	[tilespmem:s6+$0xFFFFFFC0] =	vst v63  }
0x24c: {  	s4 =	sld [smem:$0x7F9];
	_ =	sdelay $0x1  }
0x24d: {  	s3 =	simm.s32 $0x0  }
0x24e: {  	[hbm4b:s4+s3] =	stream.linear.scatter [tilespmem:s10], [sflag:$0xB], $0x4000, $0x38;
	[tilespmem:$0x1C000] =	vst v63  }
0x24f: {  	_ =	swait.ge [sflag:s20], $0x4000  }
0x250: {  	[sflag:s20] =	ssyncset.done $0x0  }
0x251: {  	s5 =	simm.s32 $0x0;
	s4 =	simm.s32 $0x0;
	[sflag:s20] =	ssyncadd.s32 $0xFFFFC000  }
.LBB2_62:
0x252: {  	s6 =	sshll.u32 s4, $0x2;
	s7 =	sand.u32 $0x7, s3  }
0x253: {  	s6 =	sand.u32 $0xFFFF8000, s6;
	s7 =	sshll.u32 s7, $0x9  }
0x254: {  	s6 =	sor.u32 s7, s6  }
0x255: {  	s6 =	sshrl.u32 s6, $0x2  }
0x256: {  	s6 =	sadd.s32 $0x8040, s6  }
0x257: {  	v2 =	vld [tilespmem:s6+$0x30]  }
0x258: {  	v4 =	vld [tilespmem:s6+$0xFFFFFFD0]  }
0x259: {  	v6 =	vld [tilespmem:s6+$0xFFFFFFE0]  }
0x25a: {  	v3 =	vld [tilespmem:s6+$0xFFFFFFF0]  }
0x25b: {  	v1 =	vld [tilespmem:s6+$0x0]  }
0x25c: {  	v0 =	vld [tilespmem:s6+$0x10];
	v7 =	vmul.f32 $3.125000000e-02, v2  }
0x25d: {  	v2 =	vld [tilespmem:s6+$0x20];
	v5 =	vmul.f32 $3.125000000e-02, v4  }
0x25e: {  	s7 =	simm.s32 $0x0;
	s8 =	sadd.s32 $0x400, s6;
	v4 =	vld [tilespmem:s6+$0xFFFFFFC0];
	v6 =	vmul.f32 $3.125000000e-02, v6;
	[tilespmem:s6+$0x30] =	vst v7  }
.LBB2_63:
0x25f: {  	v7 =	vld [tilespmem:s8+$0x30];
	s7 =	sadd.s32 $0x80, s7;
	[tilespmem:s6+$0xFFFFFFD0] =	vst v5;
	v3 =	vmul.f32 $3.125000000e-02, v3  }
0x260: {  	v5 =	vld [tilespmem:s8+$0xFFFFFFD0];
	p0 =	slt.u32 s7, $0x380;
	[tilespmem:s6+$0xFFFFFFE0] =	vst v6;
	v1 =	vmul.f32 $3.125000000e-02, v1  }
0x261: {  	v6 =	vld [tilespmem:s8+$0xFFFFFFE0];
	[tilespmem:s6+$0xFFFFFFF0] =	vst v3;
	v0 =	vmul.f32 $3.125000000e-02, v0  }
.Ltmp30:
0x262: {  	v3 =	vld [tilespmem:s8+$0xFFFFFFF0];
	[tilespmem:s6+$0x0] =	vst v1;
	v2 =	vmul.f32 $3.125000000e-02, v2;
	(pc) =	sbr.rel @p0 .LBB2_63-.Ltmp30, $4  }
0x263: {  	v1 =	vld [tilespmem:s8+$0x0];
	v4 =	vmul.f32 $3.125000000e-02, v4;
	[tilespmem:s6+$0x10] =	vst v0  }
0x264: {  	v0 =	vld [tilespmem:s8+$0x10];
	v7 =	vmul.f32 $3.125000000e-02, v7;
	[tilespmem:s6+$0x20] =	vst v2  }
0x265: {  	v5 =	vmul.f32 $3.125000000e-02, v5;
	v2 =	vld [tilespmem:s8+$0x20];
	[tilespmem:s6+$0xFFFFFFC0] =	vst v4;
	s6 =	smov.u32 s8  }
0x266: {  	s8 =	sadd.s32 $0x400, s8;
	v4 =	vld [tilespmem:s6+$0xFFFFFFC0];
	v6 =	vmul.f32 $3.125000000e-02, v6;
	[tilespmem:s6+$0x30] =	vst v7  }
0x267: {  	[tilespmem:s6+$0xFFFFFFD0] =	vst v5;
	v3 =	vmul.f32 $3.125000000e-02, v3;
	s5 =	sadd.s32 $0x1, s5  }
0x268: {  	[tilespmem:s6+$0xFFFFFFE0] =	vst v6;
	v1 =	vmul.f32 $3.125000000e-02, v1;
	p0 =	sne.s32 s5, $0x10  }
.Ltmp31:
0x269: {  	[tilespmem:s6+$0xFFFFFFF0] =	vst v3;
	v0 =	vmul.f32 $3.125000000e-02, v0;
	(pc) =	sbr.rel @p0 .LBB2_62-.Ltmp31, $4  }
0x26a: {  	[tilespmem:s6+$0x0] =	vst v1;
	v62 =	vmul.f32 $3.125000000e-02, v2  }
0x26b: {  	v63 =	vmul.f32 $3.125000000e-02, v4;
	[tilespmem:s6+$0x10] =	vst v0  }
0x26c: {  	[tilespmem:s6+$0x20] =	vst v62  }
0x26d: {  	s4 =	sadd.s32 $0x400, s4;
	s3 =	sadd.s32 $0x1, s3;
	[tilespmem:s6+$0xFFFFFFC0] =	vst v63  }
0x26e: {  	s4 =	sld [smem:$0x7FA];
	_ =	sdelay $0x1  }
0x26f: {  	s3 =	simm.s32 $0x0  }
0x270: {  	[hbm4b:s4+s3] =	stream.linear.scatter [tilespmem:s11], [sflag:$0xC], $0x4000, $0x38;
	[tilespmem:$0x1C000] =	vst v63  }
0x271: {  	_ =	swait.ge [sflag:s14], $0x2000  }
0x272: {  	[sflag:s14] =	ssyncset.done $0x0  }
0x273: {  	s4 =	simm.s32 $0x40;
	[sflag:s14] =	ssyncadd.s32 $0xFFFFE000  }
.LBB2_66:
0x274: {  	v2 =	vld [tilespmem:s4+$0x30]  }
0x275: {  	v4 =	vld [tilespmem:s4+$0xFFFFFFD0]  }
0x276: {  	v6 =	vld [tilespmem:s4+$0xFFFFFFE0]  }
0x277: {  	v3 =	vld [tilespmem:s4+$0xFFFFFFF0]  }
0x278: {  	v1 =	vld [tilespmem:s4+$0x0]  }
0x279: {  	v0 =	vld [tilespmem:s4+$0x10];
	v7 =	vmul.f32 $3.125000000e-02, v2  }
0x27a: {  	v2 =	vld [tilespmem:s4+$0x20];
	v5 =	vmul.f32 $3.125000000e-02, v4  }
0x27b: {  	s6 =	simm.s32 $0x0;
	s7 =	sadd.s32 $0x400, s4;
	s5 =	smov.u32 s4;
	v4 =	vld [tilespmem:s4+$0xFFFFFFC0];
	v6 =	vmul.f32 $3.125000000e-02, v6;
	[tilespmem:s4+$0x30] =	vst v7  }
.LBB2_67:
0x27c: {  	v7 =	vld [tilespmem:s7+$0x30];
	s6 =	sadd.s32 $0x80, s6;
	[tilespmem:s5+$0xFFFFFFD0] =	vst v5;
	v3 =	vmul.f32 $3.125000000e-02, v3  }
0x27d: {  	v5 =	vld [tilespmem:s7+$0xFFFFFFD0];
	p0 =	slt.u32 s6, $0x380;
	[tilespmem:s5+$0xFFFFFFE0] =	vst v6;
	v1 =	vmul.f32 $3.125000000e-02, v1  }
0x27e: {  	v6 =	vld [tilespmem:s7+$0xFFFFFFE0];
	[tilespmem:s5+$0xFFFFFFF0] =	vst v3;
	v0 =	vmul.f32 $3.125000000e-02, v0  }
.Ltmp32:
0x27f: {  	v3 =	vld [tilespmem:s7+$0xFFFFFFF0];
	[tilespmem:s5+$0x0] =	vst v1;
	v2 =	vmul.f32 $3.125000000e-02, v2;
	(pc) =	sbr.rel @p0 .LBB2_67-.Ltmp32, $4  }
0x280: {  	v1 =	vld [tilespmem:s7+$0x0];
	v4 =	vmul.f32 $3.125000000e-02, v4;
	[tilespmem:s5+$0x10] =	vst v0  }
0x281: {  	v0 =	vld [tilespmem:s7+$0x10];
	v7 =	vmul.f32 $3.125000000e-02, v7;
	[tilespmem:s5+$0x20] =	vst v2  }
0x282: {  	v5 =	vmul.f32 $3.125000000e-02, v5;
	v2 =	vld [tilespmem:s7+$0x20];
	[tilespmem:s5+$0xFFFFFFC0] =	vst v4;
	s5 =	smov.u32 s7  }
0x283: {  	s7 =	sadd.s32 $0x400, s7;
	v4 =	vld [tilespmem:s5+$0xFFFFFFC0];
	v6 =	vmul.f32 $3.125000000e-02, v6;
	[tilespmem:s5+$0x30] =	vst v7  }
0x284: {  	[tilespmem:s5+$0xFFFFFFD0] =	vst v5;
	v3 =	vmul.f32 $3.125000000e-02, v3;
	s3 =	sadd.s32 $0x1, s3  }
0x285: {  	[tilespmem:s5+$0xFFFFFFE0] =	vst v6;
	v1 =	vmul.f32 $3.125000000e-02, v1;
	p0 =	sne.s32 s3, $0x8  }
.Ltmp33:
0x286: {  	[tilespmem:s5+$0xFFFFFFF0] =	vst v3;
	v0 =	vmul.f32 $3.125000000e-02, v0;
	(pc) =	sbr.rel @p0 .LBB2_66-.Ltmp33, $4  }
0x287: {  	[tilespmem:s5+$0x0] =	vst v1;
	v62 =	vmul.f32 $3.125000000e-02, v2  }
0x288: {  	v63 =	vmul.f32 $3.125000000e-02, v4;
	[tilespmem:s5+$0x10] =	vst v0  }
0x289: {  	[tilespmem:s5+$0x20] =	vst v62  }
0x28a: {  	s4 =	sadd.s32 $0x80, s4;
	[tilespmem:s5+$0xFFFFFFC0] =	vst v63  }
0x28b: {  	s4 =	sld [smem:$0x7FB];
	_ =	sdelay $0x1  }
0x28c: {  	s3 =	simm.s32 $0x0  }
0x28d: {  	[hbm4b:s4+s3] =	stream.linear.scatter [tilespmem:s3], [sflag:$0x9], $0x2000, $0x38;
	[tilespmem:$0x1C000] =	vst v63  }
0x28e: {  	_ =	swait.ge [sflag:s16], $0x2000  }
0x28f: {  	[sflag:s16] =	ssyncset.done $0x0  }
0x290: {  	s4 =	simm.s32 $0x2040;
	[sflag:s16] =	ssyncadd.s32 $0xFFFFE000  }
.LBB2_70:
0x291: {  	v2 =	vld [tilespmem:s4+$0x30]  }
0x292: {  	v4 =	vld [tilespmem:s4+$0xFFFFFFD0]  }
0x293: {  	v6 =	vld [tilespmem:s4+$0xFFFFFFE0]  }
0x294: {  	v3 =	vld [tilespmem:s4+$0xFFFFFFF0]  }
0x295: {  	v1 =	vld [tilespmem:s4+$0x0]  }
0x296: {  	v0 =	vld [tilespmem:s4+$0x10];
	v7 =	vmul.f32 $3.125000000e-02, v2  }
0x297: {  	v2 =	vld [tilespmem:s4+$0x20];
	v5 =	vmul.f32 $3.125000000e-02, v4  }
0x298: {  	s6 =	simm.s32 $0x0;
	s7 =	sadd.s32 $0x400, s4;
	s5 =	smov.u32 s4;
	v4 =	vld [tilespmem:s4+$0xFFFFFFC0];
	v6 =	vmul.f32 $3.125000000e-02, v6;
	[tilespmem:s4+$0x30] =	vst v7  }
.LBB2_71:
0x299: {  	v7 =	vld [tilespmem:s7+$0x30];
	s6 =	sadd.s32 $0x80, s6;
	[tilespmem:s5+$0xFFFFFFD0] =	vst v5;
	v3 =	vmul.f32 $3.125000000e-02, v3  }
0x29a: {  	v5 =	vld [tilespmem:s7+$0xFFFFFFD0];
	p0 =	slt.u32 s6, $0x380;
	[tilespmem:s5+$0xFFFFFFE0] =	vst v6;
	v1 =	vmul.f32 $3.125000000e-02, v1  }
0x29b: {  	v6 =	vld [tilespmem:s7+$0xFFFFFFE0];
	[tilespmem:s5+$0xFFFFFFF0] =	vst v3;
	v0 =	vmul.f32 $3.125000000e-02, v0  }
.Ltmp34:
0x29c: {  	v3 =	vld [tilespmem:s7+$0xFFFFFFF0];
	[tilespmem:s5+$0x0] =	vst v1;
	v2 =	vmul.f32 $3.125000000e-02, v2;
	(pc) =	sbr.rel @p0 .LBB2_71-.Ltmp34, $4  }
0x29d: {  	v1 =	vld [tilespmem:s7+$0x0];
	v4 =	vmul.f32 $3.125000000e-02, v4;
	[tilespmem:s5+$0x10] =	vst v0  }
0x29e: {  	v0 =	vld [tilespmem:s7+$0x10];
	v7 =	vmul.f32 $3.125000000e-02, v7;
	[tilespmem:s5+$0x20] =	vst v2  }
0x29f: {  	v5 =	vmul.f32 $3.125000000e-02, v5;
	v2 =	vld [tilespmem:s7+$0x20];
	[tilespmem:s5+$0xFFFFFFC0] =	vst v4;
	s5 =	smov.u32 s7  }
0x2a0: {  	s7 =	sadd.s32 $0x400, s7;
	v4 =	vld [tilespmem:s5+$0xFFFFFFC0];
	v6 =	vmul.f32 $3.125000000e-02, v6;
	[tilespmem:s5+$0x30] =	vst v7  }
0x2a1: {  	[tilespmem:s5+$0xFFFFFFD0] =	vst v5;
	v3 =	vmul.f32 $3.125000000e-02, v3;
	s3 =	sadd.s32 $0x1, s3  }
0x2a2: {  	[tilespmem:s5+$0xFFFFFFE0] =	vst v6;
	v1 =	vmul.f32 $3.125000000e-02, v1;
	p0 =	sne.s32 s3, $0x8  }
.Ltmp35:
0x2a3: {  	[tilespmem:s5+$0xFFFFFFF0] =	vst v3;
	v0 =	vmul.f32 $3.125000000e-02, v0;
	(pc) =	sbr.rel @p0 .LBB2_70-.Ltmp35, $4  }
0x2a4: {  	[tilespmem:s5+$0x0] =	vst v1;
	v62 =	vmul.f32 $3.125000000e-02, v2  }
0x2a5: {  	v63 =	vmul.f32 $3.125000000e-02, v4;
	[tilespmem:s5+$0x10] =	vst v0  }
0x2a6: {  	[tilespmem:s5+$0x20] =	vst v62  }
0x2a7: {  	s4 =	sadd.s32 $0x80, s4;
	[tilespmem:s5+$0xFFFFFFC0] =	vst v63  }
0x2a8: {  	s3 =	sld [smem:$0x7FC];
	_ =	sdelay $0x2  }
0x2a9: {  	[hbm4b:s3+s1] =	stream.linear.scatter [tilespmem:s9], [sflag:$0xA], $0x2000, $0x38;
	[tilespmem:$0x1C000] =	vst v63  }
0x2aa: {  	_ =	swait.ge [sflag:s23], $0x4000  }
0x2ab: {  	[sflag:s23] =	ssyncset.done $0x0  }
0x2ac: {  	[sflag:s23] =	ssyncadd.s32 $0xFFFFC000  }
0x2ad: {  	_ =	swait.ge [sflag:s25], $0x4000  }
0x2ae: {  	[sflag:s25] =	ssyncset.done $0x0  }
0x2af: {  	[sflag:s25] =	ssyncadd.s32 $0xFFFFC000  }
0x2b0: {  	_ =	swait.ge [sflag:s28], $0x4000  }
0x2b1: {  	[sflag:s28] =	ssyncset.done $0x0  }
0x2b2: {  	[sflag:s28] =	ssyncadd.s32 $0xFFFFC000  }
0x2b3: {  	_ =	swait.ge [sflag:s30], $0x4000  }
0x2b4: {  	[sflag:s30] =	ssyncset.done $0x0  }
0x2b5: {  	[sflag:s30] =	ssyncadd.s32 $0xFFFFC000  }
0x2b6: {  	_ =	swait.ge [sflag:s19], $0x4000  }
0x2b7: {  	[sflag:s19] =	ssyncset.done $0x0  }
0x2b8: {  	[sflag:s19] =	ssyncadd.s32 $0xFFFFC000  }
0x2b9: {  	_ =	swait.ge [sflag:s21], $0x4000  }
0x2ba: {  	[sflag:s21] =	ssyncset.done $0x0  }
0x2bb: {  	[sflag:s21] =	ssyncadd.s32 $0xFFFFC000  }
0x2bc: {  	_ =	swait.ge [sflag:s31], $0x2000  }
0x2bd: {  	[sflag:s31] =	ssyncset.done $0x0  }
0x2be: {  	[sflag:s31] =	ssyncadd.s32 $0xFFFFE000  }
0x2bf: {  	_ =	swait.ge [sflag:s0], $0x2000  }
0x2c0: {  	s8 =	sld [smem:$0x7FD];
	_ =	sdelay $0x1  }
0x2c1: {  	s2 =	sadd.s32 $0x1, s2  }
0x2c2: {  	p0 =	sne.s32 s2, s8  }
.Ltmp36:
0x2c3: {  	_ = 	snop;
	(pc) =	sbr.rel @p0 .LBB2_1-.Ltmp36, $3  }
0x2c4: {  	_ =	sdelay $0x1  }
0x2c5: {  	[sflag:s0] =	ssyncset.done $0x0  }
0x2c6: {  	[sflag:s0] =	ssyncadd.s32 $0xFFFFE000  }
0x2c7: {  	_ =	sfence.sel $0x180000  }
0x2c8: {  	[bflag:$0x0] =	sbarrier.arrive $0xFFFF  }
0x2c9: {  	_ =	strace $0x90000047  }
0x2ca: {  	s0 =	stileid.u32;
	[bflag:$0x2] =	sbarrier.arrive $0xFFFF  }
0x2cb: {  	p0 =	sne.s32 s0, $0x0;
	s0 =	rddreg [dreg:$0x2]  }
0x2cc: {  	s0 =	sadd.s32 @!p0 $0x100000, s0  }
0x2cd: {  	[sflag:s0] =	ssyncadd.tile.s32 @!p0 $0x1;
	_ =	shalt  }
.Lfunc_end2:
_tile_overlayer_lowered:
.L_overlay_start_2:
0x2ce: {  	(tag) =	ssettag $0x2  }
0x2cf: {  	s0 =	rddreg [dreg:$0x0];
	s2 =	stileid.u32  }
0x2d0: {  	s1 =	rddreg [dreg:$0x1];
	p0 =	sne.s32 s2, $0x0  }
0x2d1: {  	s3 =	rddreg [dreg:$0x2];
	[bflag:$0x3] =	sbarrier.arrive $0xFFFF;
	s2 =	simm.s32 @!p0 $0x1C11  }
0x2d2: {  	[timem:s3], [sflag:s2] =	dma.local @!p0 [hbm:s0], s1  }
0x2d3: {  	s0 =	simm.s32 @!p0 $0x11  }
0x2d4: {  	_ =	swait.ge @!p0 [sflag:s0], s1  }
0x2d5: {  	s1 =	ssub.s32 @!p0 $0x0, s1;
	[sflag:s0] =	ssyncset.done @!p0 $0x0  }
0x2d6: {  	[sflag:s0] =	ssyncadd.s32 @!p0 s1  }
0x2d7: {  	[bflag:$0x3] =	sbarrier.arrive $0xFFFF  }
0x2d8: {  	_ =	shalt  }

</sc_bundles>
